<compile_context>
chip_gen: v7x
topology: tpu7x:2x2x1
jax: 0.10.2.dev20260603
libtpu: 0.0.44.dev20260713+nightly
codegen_flags: <defaults>
</compile_context>

<pallas_src>
import functools
import numpy as np
import jax
import jax.numpy as jnp
from jax import lax
from jax.experimental import pallas as pl
from jax.experimental.pallas import tpu as pltpu
from jax.experimental.pallas import tpu_sc as plsc

N_NODES = 64
N_EDGES = 4096
N_FULL = N_EDGES + N_NODES
B = 256
W_IN = 657
W_OUT = 41

_DB4_LO = np.array([
    -0.010597401784997278, 0.032883011666982945, 0.030841381835986965,
    -0.18703481171888114, -0.02798376941698385, 0.6308807679295904,
    0.7148465705525415, 0.23037781330885523], dtype=np.float64)


def _lo_mat(L):
    Lp = (L - 2) // 2 + 1
    M = np.zeros((L, Lp), np.float64)
    for i in range(Lp):
        for k in range(8):
            M[(2 * i + k - 3) % L, i] += _DB4_LO[7 - k]
    return M


_M_TOTAL = np.asarray(
    _lo_mat(657) @ _lo_mat(328) @ _lo_mat(164) @ _lo_mat(82),
    dtype=np.float32)

_r = np.arange(N_EDGES) // 64
_c = np.arange(N_EDGES) % 64
_mx = np.maximum(_r, _c)
_mn = np.minimum(_r, _c)
_GIDX = np.asarray(_mx * (_mx + 1) // 2 + _mn, dtype=np.int32)

_EYES = np.stack([np.eye(64, k=o, dtype=np.float32) for o in range(-3, 4)])



def _rsqrt16(x):
    i = plsc.bitcast(x, jnp.int32)
    i = jnp.int32(0x5F3759DF) - (i >> 1)
    y = plsc.bitcast(i, jnp.float32)
    xh = x * jnp.float32(0.5)
    for _ in range(4):
        y = y * (jnp.float32(1.5) - xh * y * y)
    return y


def _adj_body(src_h, dst_h, wl_h, aw_h, gi_h, mv_h, al_h, ag_h,
              src_v, dst_v, wl_v, wg_v, aw_v, gi_v, mv_v,
              deg_v, dinv_v, acc_v, sem):
    first = jnp.logical_and(lax.axis_index("c") == 0, lax.axis_index("s") == 0)

    @pl.when(first)
    def _():
        pltpu.sync_copy(src_h, src_v)
        pltpu.sync_copy(dst_h, dst_v)
        pltpu.sync_copy(wl_h, wl_v)
        pltpu.sync_copy(aw_h, aw_v)
        pltpu.sync_copy(gi_h, gi_v)
        pltpu.sync_copy(mv_h, mv_v)

        def gw_body(i, _):
            s = pl.ds(i * 16, 16)
            g = plsc.load_gather(aw_v, [gi_v[s]])
            wg_v[s] = g * mv_v[s]
            return _
        lax.fori_loop(0, N_FULL // 16, gw_body, None)

        def one_chain(w_ref, out_h):
            def z_deg(i, _):
                deg_v[pl.ds(i * 16, 16)] = jnp.zeros((16,), jnp.float32)
                return _
            lax.fori_loop(0, N_NODES // 16, z_deg, None)

            def z_acc(i, _):
                acc_v[pl.ds(i * 16, 16)] = jnp.zeros((16,), jnp.float32)
                return _
            lax.fori_loop(0, (N_NODES * N_NODES) // 16, z_acc, None)

            def deg_body(i, _):
                s = pl.ds(i * 16, 16)
                plsc.addupdate_scatter(deg_v, [dst_v[s]], jnp.abs(w_ref[s]))
                return _
            lax.fori_loop(0, N_FULL // 16, deg_body, None)

            def dinv_body(i, _):
                s = pl.ds(i * 16, 16)
                d = deg_v[s]
                r = _rsqrt16(jnp.maximum(d, jnp.float32(1e-12)))
                dinv_v[s] = jnp.where(d > 0, r, jnp.float32(0.0))
                return _
            lax.fori_loop(0, N_NODES // 16, dinv_body, None)

            def edge_body(i, _):
                s = pl.ds(i * 16, 16)
                sv = src_v[s]
                dv = dst_v[s]
                ds_ = plsc.load_gather(dinv_v, [sv])
                dd = plsc.load_gather(dinv_v, [dv])
                norm = ds_ * w_ref[s] * dd
                flat = dv * jnp.int32(64) + sv
                plsc.addupdate_scatter(acc_v, [flat], norm)
                return _
            lax.fori_loop(0, N_FULL // 16, edge_body, None)

            pltpu.sync_copy(acc_v, out_h)

        one_chain(wl_v, al_h)
        one_chain(wg_v, ag_h)


def _build_adj(src_f, dst_f, wloc, awx, gidx, mvec):
    mesh = plsc.VectorSubcoreMesh(core_axis_name="c", subcore_axis_name="s")
    f = pl.kernel(
        _adj_body,
        mesh=mesh,
        compiler_params=pltpu.CompilerParams(needs_layout_passes=False),
        out_type=[
            jax.ShapeDtypeStruct((N_NODES * N_NODES,), jnp.float32),
            jax.ShapeDtypeStruct((N_NODES * N_NODES,), jnp.float32),
        ],
        scratch_types=[
            pltpu.VMEM((N_FULL,), jnp.int32),
            pltpu.VMEM((N_FULL,), jnp.int32),
            pltpu.VMEM((N_FULL,), jnp.float32),
            pltpu.VMEM((N_FULL,), jnp.float32),
            pltpu.VMEM((2088,), jnp.float32),
            pltpu.VMEM((N_FULL,), jnp.int32),
            pltpu.VMEM((N_FULL,), jnp.float32),
            pltpu.VMEM((N_NODES,), jnp.float32),
            pltpu.VMEM((N_NODES,), jnp.float32),
            pltpu.VMEM((N_NODES * N_NODES,), jnp.float32),
            pltpu.SemaphoreType.DMA,
        ],
    )
    return f(src_f, dst_f, wloc, awx, gidx, mvec)



def _s1_body(x_ref, w1t_ref, w2t_ref, sa_ref, sm_ref, m_ref, out_ref):
    x = x_ref[...]
    avg = jnp.mean(x, axis=1)
    mx = jnp.max(x, axis=1)
    w1t = w1t_ref[...]
    w2t = w2t_ref[...]
    h = jnp.maximum(jnp.dot(avg, w1t, preferred_element_type=jnp.float32), 0.0)
    att = jnp.dot(h, w2t, preferred_element_type=jnp.float32)
    h = jnp.maximum(jnp.dot(mx, w1t, preferred_element_type=jnp.float32), 0.0)
    att = att + jnp.dot(h, w2t, preferred_element_type=jnp.float32)
    att = jax.nn.sigmoid(att)
    x1 = x * att[:, None, :]
    a = jnp.mean(x1, axis=2)
    m = jnp.max(x1, axis=2)
    sa = (jnp.dot(a, sa_ref[...], preferred_element_type=jnp.float32)
          + jnp.dot(m, sm_ref[...], preferred_element_type=jnp.float32))
    x2 = x1 * jax.nn.sigmoid(sa)[:, :, None]
    bB = x2.shape[0]
    d = jnp.dot(x2.reshape(bB * N_NODES, W_IN), m_ref[...],
                preferred_element_type=jnp.float32)
    out_ref[...] = d.reshape(bB, N_NODES, W_OUT)


def _stage1(xs, w1t, w2t, s_a, s_m, mmat, bB=32):
    grid = (B // bB,)
    return pl.pallas_call(
        _s1_body,
        grid=grid,
        in_specs=[
            pl.BlockSpec((bB, N_NODES, W_IN), lambda i: (i, 0, 0)),
            pl.BlockSpec((W_IN, 82), lambda i: (0, 0)),
            pl.BlockSpec((82, W_IN), lambda i: (0, 0)),
            pl.BlockSpec((N_NODES, N_NODES), lambda i: (0, 0)),
            pl.BlockSpec((N_NODES, N_NODES), lambda i: (0, 0)),
            pl.BlockSpec((W_IN, W_OUT), lambda i: (0, 0)),
        ],
        out_specs=pl.BlockSpec((bB, N_NODES, W_OUT), lambda i: (i, 0, 0)),
        out_shape=jax.ShapeDtypeStruct((B, N_NODES, W_OUT), jnp.float32),
    )(xs, w1t, w2t, s_a, s_m, mmat)



def _bn_rows(y, g, be):
    mu = jnp.mean(y, axis=0, keepdims=True)
    va = jnp.mean((y - mu) * (y - mu), axis=0, keepdims=True)
    return (y - mu) / jnp.sqrt(va + 1e-5) * g + be


def _s3_body(d_ref, al_ref, ag_ref,
             lw1_ref, lb1_ref, lg1_ref, lbe1_ref,
             lw2_ref, lb2_ref, lg2_ref, lbe2_ref,
             gw1_ref, gb1_ref, gg1_ref, gbe1_ref,
             gw2_ref, gb2_ref, gg2_ref, gbe2_ref,
             c1e_ref, c1o_ref, cb1_ref, cg_ref, cbe_ref,
             c2_ref, cb2_ref, out_ref):
    delta = d_ref[...]

    def hops(A5, h3):
        A5b = jnp.broadcast_to(A5[None], (B, N_NODES, N_NODES))
        return lax.dot_general(
            A5b, h3, dimension_numbers=(((2,), (1,)), ((0,), (0,))),
            preferred_element_type=jnp.float32)

    def chain(a_ref, w1t, b1, g1, be1, w2t, b2, g2, be2):
        A = a_ref[...]
        A2 = jnp.dot(A, A, preferred_element_type=jnp.float32)
        A4 = jnp.dot(A2, A2, preferred_element_type=jnp.float32)
        A5 = jnp.dot(A4, A, preferred_element_type=jnp.float32)
        p = hops(A5, delta)
        y = jnp.dot(p.reshape(B * N_NODES, W_OUT), w1t,
                    preferred_element_type=jnp.float32) + b1
        y = _bn_rows(y, g1, be1)
        p2 = hops(A5, y.reshape(B, N_NODES, 16))
        z = jnp.dot(p2.reshape(B * N_NODES, 16), w2t,
                    preferred_element_type=jnp.float32) + b2
        z = _bn_rows(z, g2, be2)
        return jnp.mean(z.reshape(B, N_NODES, 4), axis=2)

    lf = chain(al_ref, lw1_ref[...], lb1_ref[...], lg1_ref[...], lbe1_ref[...],
               lw2_ref[...], lb2_ref[...], lg2_ref[...], lbe2_ref[...])
    gf = chain(ag_ref, gw1_ref[...], gb1_ref[...], gg1_ref[...], gbe1_ref[...],
               gw2_ref[...], gb2_ref[...], gg2_ref[...], gbe2_ref[...])

    h = (jnp.dot(lf, c1e_ref[...], preferred_element_type=jnp.float32)
         + jnp.dot(gf, c1o_ref[...], preferred_element_type=jnp.float32)
         + cb1_ref[...])
    h = _bn_rows(h, cg_ref[...], cbe_ref[...])
    logits = jnp.dot(h, c2_ref[...], preferred_element_type=jnp.float32) \
        + cb2_ref[...]
    mxl = jnp.max(logits, axis=1, keepdims=True)
    s = logits - mxl
    lse = jnp.log(jnp.sum(jnp.exp(s), axis=1, keepdims=True))
    out_ref[...] = s - lse


def _stage3(delta, a_l, a_g, wl, wg, wc):
    full = lambda s: pl.BlockSpec(s, lambda: tuple(0 for _ in s))
    args = [delta, a_l, a_g, *wl, *wg, *wc]
    specs = [full(a.shape) for a in args]
    return pl.pallas_call(
        _s3_body,
        in_specs=specs,
        out_specs=full((B, 2)),
        out_shape=jax.ShapeDtypeStruct((B, 2), jnp.float32),
    )(*args)



def kernel(x, edges, local_graph_weight, global_mask, params):
    xs = x.reshape(B, N_NODES, W_IN)

    loop = jnp.arange(N_NODES, dtype=jnp.int32)
    src_f = jnp.concatenate([edges[0].astype(jnp.int32), loop])
    dst_f = jnp.concatenate([edges[1].astype(jnp.int32), loop])
    wloc = jnp.concatenate([local_graph_weight,
                            jnp.ones((N_NODES,), jnp.float32)])
    awx = jnp.concatenate([params['adj_w'],
                           jnp.ones((8,), jnp.float32)])
    gidx = jnp.concatenate([jnp.asarray(_GIDX),
                            jnp.full((N_NODES,), 2080, jnp.int32)])
    mvec = jnp.concatenate([global_mask.reshape(-1),
                            jnp.ones((N_NODES,), jnp.float32)])
    a_l, a_g = _build_adj(src_f, dst_f, wloc, awx, gidx, mvec)
    a_l = a_l.reshape(N_NODES, N_NODES)
    a_g = a_g.reshape(N_NODES, N_NODES)

    w1t = params['ca_w1'].T
    w2t = params['ca_w2'].T
    ka = params['sa_w'][0, 0, 3, ::-1]
    km = params['sa_w'][0, 1, 3, ::-1]
    eyes = jnp.asarray(_EYES)
    s_a = jnp.einsum('k,kab->ab', ka, eyes)
    s_m = jnp.einsum('k,kab->ab', km, eyes)
    delta = _stage1(xs, w1t, w2t, s_a, s_m, jnp.asarray(_M_TOTAL))

    def row(v):
        return v.reshape(1, -1)
    wl = (params['ld_w'].T, row(params['ld_b']), row(params['ld_g']),
          row(params['ld_be']),
          params['ld1_w'].T, row(params['ld1_b']), row(params['ld1_g']),
          row(params['ld1_be']))
    wg = (params['d_w'].T, row(params['d_b']), row(params['d_g']),
          row(params['d_be']),
          params['d1_w'].T, row(params['d1_b']), row(params['d1_g']),
          row(params['d1_be']))
    wc = (params['cls_w1'][:, 0::2].T, params['cls_w1'][:, 1::2].T,
          row(params['cls_b1']), row(params['cls_g']), row(params['cls_be']),
          params['cls_w2'].T, row(params['cls_b2']))
    return _stage3(delta, a_l, a_g, wl, wg, wc)

# --- scband reference (transcript-rebuilt; emitter-appended) ---
"""Pipeline reference for scband-mhdgcn-net-53206054863488 (READ-ONLY COPY).

The authoritative reference and input builder live on the scoring server;
editing this copy changes nothing except your own understanding.
"""

import jax, jax.numpy as jnp
import numpy as np

DB4_LO = np.array([-0.010597401784997278, 0.032883011666982945, 0.030841381835986965, -0.18703481171888114, -0.02798376941698385, 0.6308807679295904, 0.7148465705525415, 0.23037781330885523], dtype=np.float32)
DB4_HI = np.array([((-1.0) ** (k + 1)) * DB4_LO[7 - k] for k in range(8)], dtype=np.float32)
FLT = 8
N_NODES = 64
K_HOPS = 5


def spectral_block(x):
    # x: [B, 64, 1, W]; circular pad width 3, depthwise conv (flipped db4 Lo/Hi), stride 2
    p = FLT // 2 - 1
    xp = jnp.concatenate([x[..., -p:], x, x[..., :p]], axis=-1)
    B, C, H, Wp = xp.shape
    kern = jnp.stack([jnp.asarray(np.flip(DB4_LO).copy()), jnp.asarray(np.flip(DB4_HI).copy())])[:, None, :]  # [2,1,8]
    xr = xp.reshape(B * C, 1, Wp)
    out = jax.lax.conv_general_dilated(xr, kern, (2,), 'VALID', dimension_numbers=('NCH', 'OIH', 'NCH'))
    out = out.reshape(B, C, 2, out.shape[-1])
    return out[:, :, 0:1, :], out[:, :, 1:2, :]  # (low, high), each [B,C,1,W']


def cbam(x, p):
    # x: [B, 657, 1, 64]
    avg = jnp.mean(x, axis=(2, 3), keepdims=True)
    mx = jnp.max(x, axis=(2, 3), keepdims=True)
    def mlp(v):
        h = jnp.einsum('oc,bcij->boij', p['ca_w1'], v)
        h = jax.nn.relu(h)
        return jnp.einsum('oc,bcij->boij', p['ca_w2'], h)
    x = x * jax.nn.sigmoid(mlp(avg) + mlp(mx))
    a = jnp.mean(x, axis=1, keepdims=True)
    m = jnp.max(x, axis=1, keepdims=True)
    s = jnp.concatenate([a, m], axis=1)  # [B,2,1,64]
    sa = jax.lax.conv_general_dilated(s, p['sa_w'], (1, 1), [(3, 3), (3, 3)], dimension_numbers=('NCHW', 'OIHW', 'NCHW'))
    return x * jax.nn.sigmoid(sa)


def global_adj(param, mask):
    xs, ys = np.tril_indices(N_NODES)
    W = jnp.zeros((N_NODES, N_NODES), jnp.float32).at[xs, ys].set(param)
    W = W + W.T - jnp.diag(jnp.diag(W))
    return (W * mask).reshape(-1)


def new_sgconv(x, src, dst, ew, W, b):
    # SGConv with abs-weight symmetric normalization (NewSGConv); x: [B, N, F]
    n = x.shape[1]
    loop = jnp.arange(n)
    s = jnp.concatenate([src, loop])
    d = jnp.concatenate([dst, loop])
    w = jnp.concatenate([ew, jnp.ones((n,), x.dtype)])
    deg = jnp.zeros((n,), x.dtype).at[d].add(jnp.abs(w))
    dinv = jnp.where(deg > 0, 1.0 / jnp.sqrt(jnp.maximum(deg, 1e-12)), 0.0)
    norm = dinv[s] * w * dinv[d]
    h = x
    for _ in range(K_HOPS):
        msg = h[:, s, :] * norm[None, :, None]
        h = jnp.zeros_like(h).at[:, d, :].add(msg)
    return h @ W.T + b


def batchnorm_c(x, g, b, eps=1e-5):
    # x: [B, N, C]; per-channel batch statistics over (B, N)
    mean = jnp.mean(x, axis=(0, 1), keepdims=True)
    var = jnp.var(x, axis=(0, 1), keepdims=True)
    return (x - mean) / jnp.sqrt(var + eps) * g + b


def gcn_block(x, src, dst, ew, pw, pb, pg, pbe):
    return batchnorm_c(new_sgconv(x, src, dst, ew, pw, pb), pg, pbe)


def classifier(x, p):
    h = x.reshape(x.shape[0], -1)
    h = h @ p['cls_w1'].T + p['cls_b1']
    mean = jnp.mean(h, axis=0, keepdims=True)
    var = jnp.var(h, axis=0, keepdims=True)
    h = (h - mean) / jnp.sqrt(var + 1e-5) * p['cls_g'] + p['cls_be']
    h = h @ p['cls_w2'].T + p['cls_b2']
    return jax.nn.log_softmax(h, axis=1)


def _forward(x, edges, local_graph_weight, global_mask, params):
    # si=128 -> fi=7 -> 4 wavelet levels; gamma from x at level 1, delta/theta at level 4
    x = jnp.transpose(x, (0, 3, 2, 1))
    x = cbam(x, params)
    x = jnp.transpose(x, (0, 3, 2, 1))
    outputs, gamma = spectral_block(x)
    outputs, beta = spectral_block(outputs)
    outputs, alpha = spectral_block(outputs)
    delta, theta = spectral_block(outputs)  # delta: [B,64,1,41]
    gw = global_adj(params['adj_w'], global_mask)
    src, dst = edges[0], edges[1]
    dsq = jnp.squeeze(delta, axis=2)  # [B,64,41]
    lf = gcn_block(dsq, src, dst, local_graph_weight, params['ld_w'], params['ld_b'], params['ld_g'], params['ld_be'])
    lf = gcn_block(lf, src, dst, local_graph_weight, params['ld1_w'], params['ld1_b'], params['ld1_g'], params['ld1_be'])
    gf = gcn_block(dsq, src, dst, gw, params['d_w'], params['d_b'], params['d_g'], params['d_be'])
    gf = gcn_block(gf, src, dst, gw, params['d1_w'], params['d1_b'], params['d1_g'], params['d1_be'])
    feat = jnp.concatenate([jnp.mean(lf, axis=2, keepdims=True), jnp.mean(gf, axis=2, keepdims=True)], axis=2)  # [B,64,2]
    return classifier(feat, params)


def setup_inputs(seed: int = 0):
    key = jax.random.key(seed)
    ks = jax.random.split(key, 16)
    B = 256
    x = jax.random.normal(ks[0], (B, 64, 1, 657), jnp.float32)
    edges = jax.random.randint(ks[1], (2, 4096), 0, 64).astype(jnp.int32)
    local_graph_weight = jax.random.uniform(ks[2], (4096,), jnp.float32)
    global_mask = jnp.ones((64, 64), jnp.float32)
    def lin(k, o, i):
        s = 1.0 / np.sqrt(i)
        return jax.random.uniform(k, (o, i), jnp.float32, -s, s)
    params = {
        'ca_w1': lin(ks[3], 82, 657),
        'ca_w2': lin(ks[4], 657, 82),
        'sa_w': jax.random.normal(ks[5], (1, 2, 7, 7), jnp.float32) * 0.05,
        'adj_w': jax.random.uniform(ks[6], (2080,), jnp.float32),
        'ld_w': lin(ks[7], 16, 41), 'ld_b': jnp.zeros(16), 'ld_g': jnp.ones(16), 'ld_be': jnp.zeros(16),
        'ld1_w': lin(ks[8], 4, 16), 'ld1_b': jnp.zeros(4), 'ld1_g': jnp.ones(4), 'ld1_be': jnp.zeros(4),
        'd_w': lin(ks[9], 16, 41), 'd_b': jnp.zeros(16), 'd_g': jnp.ones(16), 'd_be': jnp.zeros(16),
        'd1_w': lin(ks[10], 4, 16), 'd1_b': jnp.zeros(4), 'd1_g': jnp.ones(4), 'd1_be': jnp.zeros(4),
        'cls_w1': lin(ks[11], 32, 128), 'cls_b1': jnp.zeros(32), 'cls_g': jnp.ones(32), 'cls_be': jnp.zeros(32),
        'cls_w2': lin(ks[12], 2, 32), 'cls_b2': jnp.zeros(2),
    }
    return {'x': x, 'edges': edges, 'local_graph_weight': local_graph_weight, 'global_mask': global_mask, 'params': params}


def reference(x, edges, local_graph_weight, global_mask, params):
    return _forward(x, edges, local_graph_weight, global_mask, params)

if __name__ == "__main__":
    import jax
    _d = setup_inputs()
    print(jax.jit(kernel)(*tuple(_d.values())))

</pallas_src>

<mosaic_0001>
#map = affine_map<(d0, d1) -> (0)>
module attributes {stable_mosaic.version = 14 : i64} {
  func.func @_adj_body(%arg0: i32, %arg1: i32, %arg2: memref<4160xi32, #tpu.memory_space<hbm>>, %arg3: memref<4160xi32, #tpu.memory_space<hbm>>, %arg4: memref<4160xf32, #tpu.memory_space<hbm>>, %arg5: memref<2088xf32, #tpu.memory_space<hbm>>, %arg6: memref<4160xi32, #tpu.memory_space<hbm>>, %arg7: memref<4160xf32, #tpu.memory_space<hbm>>, %arg8: memref<4096xf32, #tpu.memory_space<hbm>>, %arg9: memref<4096xf32, #tpu.memory_space<hbm>>, %arg10: memref<4160xi32, #tpu.memory_space<vmem>>, %arg11: memref<4160xi32, #tpu.memory_space<vmem>>, %arg12: memref<4160xf32, #tpu.memory_space<vmem>>, %arg13: memref<4160xf32, #tpu.memory_space<vmem>>, %arg14: memref<2088xf32, #tpu.memory_space<vmem>>, %arg15: memref<4160xi32, #tpu.memory_space<vmem>>, %arg16: memref<4160xf32, #tpu.memory_space<vmem>>, %arg17: memref<64xf32, #tpu.memory_space<vmem>>, %arg18: memref<64xf32, #tpu.memory_space<vmem>>, %arg19: memref<4096xf32, #tpu.memory_space<vmem>>, %arg20: memref<!tpu.dma_semaphore, #tpu.memory_space<semaphore_mem>>) attributes {dimension_semantics = [#tpu.dimension_semantics<core_parallel>, #tpu.dimension_semantics<subcore_parallel>], iteration_bounds = array<i64: 2, 16>, scalar_prefetch = 0 : i64, scratch_operands = 11 : i64, tpu.core_type = #tpu.core_type<sc_vector_subcore>, window_params = [{transform_indices = #map}, {transform_indices = #map}, {transform_indices = #map}, {transform_indices = #map}, {transform_indices = #map}, {transform_indices = #map}, {transform_indices = #map}, {transform_indices = #map}]} {
    %eq3A = arith.constant 0 : i32
    %eq3A_0 = arith.cmpi eq, %arg0, %eq3A : i32
    %eq3A_1 = arith.constant 0 : i32
    %eq3A_2 = arith.cmpi eq, %arg1, %eq3A_1 : i32
    %and3A = arith.andi %eq3A_0, %eq3A_2 : i1
    %convert_element_type3A = arith.extui %and3A : i1 to i32
    %cond3A = arith.constant 0 : i32
    %cond3A_3 = arith.cmpi ne, %convert_element_type3A, %cond3A : i32
    scf.if %cond3A_3 {
      "tpu.region"() ({
        %run_scoped3A = tpu.sem_alloc : memref<!tpu.dma_semaphore, #tpu.memory_space<semaphore_mem>>
        tpu.enqueue_dma source(%arg2 : memref<4160xi32, #tpu.memory_space<hbm>>) target(%arg10 : memref<4160xi32, #tpu.memory_space<vmem>>) target_semaphore(%run_scoped3A : memref<!tpu.dma_semaphore, #tpu.memory_space<semaphore_mem>>)
        tpu.wait_dma2 semaphore(%run_scoped3A : memref<!tpu.dma_semaphore, #tpu.memory_space<semaphore_mem>>) src(%arg2 : memref<4160xi32, #tpu.memory_space<hbm>>) dst(%arg10 : memref<4160xi32, #tpu.memory_space<vmem>>)
        tpu.yield
      }) : () -> ()
      "tpu.region"() ({
        %run_scoped3A = tpu.sem_alloc : memref<!tpu.dma_semaphore, #tpu.memory_space<semaphore_mem>>
        tpu.enqueue_dma source(%arg3 : memref<4160xi32, #tpu.memory_space<hbm>>) target(%arg11 : memref<4160xi32, #tpu.memory_space<vmem>>) target_semaphore(%run_scoped3A : memref<!tpu.dma_semaphore, #tpu.memory_space<semaphore_mem>>)
        tpu.wait_dma2 semaphore(%run_scoped3A : memref<!tpu.dma_semaphore, #tpu.memory_space<semaphore_mem>>) src(%arg3 : memref<4160xi32, #tpu.memory_space<hbm>>) dst(%arg11 : memref<4160xi32, #tpu.memory_space<vmem>>)
        tpu.yield
      }) : () -> ()
      "tpu.region"() ({
        %run_scoped3A = tpu.sem_alloc : memref<!tpu.dma_semaphore, #tpu.memory_space<semaphore_mem>>
        tpu.enqueue_dma source(%arg4 : memref<4160xf32, #tpu.memory_space<hbm>>) target(%arg12 : memref<4160xf32, #tpu.memory_space<vmem>>) target_semaphore(%run_scoped3A : memref<!tpu.dma_semaphore, #tpu.memory_space<semaphore_mem>>)
        tpu.wait_dma2 semaphore(%run_scoped3A : memref<!tpu.dma_semaphore, #tpu.memory_space<semaphore_mem>>) src(%arg4 : memref<4160xf32, #tpu.memory_space<hbm>>) dst(%arg12 : memref<4160xf32, #tpu.memory_space<vmem>>)
        tpu.yield
      }) : () -> ()
      "tpu.region"() ({
        %run_scoped3A = tpu.sem_alloc : memref<!tpu.dma_semaphore, #tpu.memory_space<semaphore_mem>>
        tpu.enqueue_dma source(%arg5 : memref<2088xf32, #tpu.memory_space<hbm>>) target(%arg14 : memref<2088xf32, #tpu.memory_space<vmem>>) target_semaphore(%run_scoped3A : memref<!tpu.dma_semaphore, #tpu.memory_space<semaphore_mem>>)
        tpu.wait_dma2 semaphore(%run_scoped3A : memref<!tpu.dma_semaphore, #tpu.memory_space<semaphore_mem>>) src(%arg5 : memref<2088xf32, #tpu.memory_space<hbm>>) dst(%arg14 : memref<2088xf32, #tpu.memory_space<vmem>>)
        tpu.yield
      }) : () -> ()
      "tpu.region"() ({
        %run_scoped3A = tpu.sem_alloc : memref<!tpu.dma_semaphore, #tpu.memory_space<semaphore_mem>>
        tpu.enqueue_dma source(%arg6 : memref<4160xi32, #tpu.memory_space<hbm>>) target(%arg15 : memref<4160xi32, #tpu.memory_space<vmem>>) target_semaphore(%run_scoped3A : memref<!tpu.dma_semaphore, #tpu.memory_space<semaphore_mem>>)
        tpu.wait_dma2 semaphore(%run_scoped3A : memref<!tpu.dma_semaphore, #tpu.memory_space<semaphore_mem>>) src(%arg6 : memref<4160xi32, #tpu.memory_space<hbm>>) dst(%arg15 : memref<4160xi32, #tpu.memory_space<vmem>>)
        tpu.yield
      }) : () -> ()
      "tpu.region"() ({
        %run_scoped3A = tpu.sem_alloc : memref<!tpu.dma_semaphore, #tpu.memory_space<semaphore_mem>>
        tpu.enqueue_dma source(%arg7 : memref<4160xf32, #tpu.memory_space<hbm>>) target(%arg16 : memref<4160xf32, #tpu.memory_space<vmem>>) target_semaphore(%run_scoped3A : memref<!tpu.dma_semaphore, #tpu.memory_space<semaphore_mem>>)
        tpu.wait_dma2 semaphore(%run_scoped3A : memref<!tpu.dma_semaphore, #tpu.memory_space<semaphore_mem>>) src(%arg7 : memref<4160xf32, #tpu.memory_space<hbm>>) dst(%arg16 : memref<4160xf32, #tpu.memory_space<vmem>>)
        tpu.yield
      }) : () -> ()
      %scan3A = arith.constant 0 : i32
      %scan3A_4 = arith.constant 260 : i32
      %scan3A_5 = arith.addi %scan3A, %scan3A_4 : i32
      %scan3A_6 = arith.constant 1 : i32
      scf.for %scan3A_58 = %scan3A to %scan3A_5 step %scan3A_6  : i32 {
        %mul3A = arith.constant 16 : i32
        %mul3A_59 = arith.muli %scan3A_58, %mul3A : i32
        %get3A = arith.index_cast %mul3A_59 : i32 to index
        %get3A_60 = tpu.vector_load %arg15[%get3A] {strides = array<i32>} : memref<4160xi32, #tpu.memory_space<vmem>>, vector<16xi32>,
        %gather3A = tpu.vector_load_idx %arg14[%get3A_60] : memref<2088xf32, #tpu.memory_space<vmem>>[vector<16xi32>], vector<16xf32>,
        %get3A_61 = arith.index_cast %mul3A_59 : i32 to index
        %get3A_62 = tpu.vector_load %arg16[%get3A_61] {strides = array<i32>} : memref<4160xf32, #tpu.memory_space<vmem>>, vector<16xf32>,
        %mul3A_63 = arith.mulf %gather3A, %get3A_62 : vector<16xf32>
        %swap3A = arith.index_cast %mul3A_59 : i32 to index
        %swap3A_64 = tpu.vector_load %arg13[%swap3A] {strides = array<i32>} : memref<4160xf32, #tpu.memory_space<vmem>>, vector<16xf32>,
        tpu.vector_store %arg13[%swap3A], %mul3A_63 {strides = array<i32>} : memref<4160xf32, #tpu.memory_space<vmem>>, vector<16xf32>,
      }
      %scan3A_7 = arith.constant 260 : i32
      %scan3A_8 = arith.constant 0 : i32
      %scan3A_9 = arith.constant 4 : i32
      %scan3A_10 = arith.addi %scan3A_8, %scan3A_9 : i32
      %scan3A_11 = arith.constant 1 : i32
      scf.for %scan3A_58 = %scan3A_8 to %scan3A_10 step %scan3A_11  : i32 {
        %broadcast_in_dim3A = arith.constant 0.000000e+00 : f32
        %broadcast_in_dim3A_59 = vector.broadcast %broadcast_in_dim3A : f32 to vector<16xf32>
        %mul3A = arith.constant 16 : i32
        %mul3A_60 = arith.muli %scan3A_58, %mul3A : i32
        %swap3A = arith.index_cast %mul3A_60 : i32 to index
        %swap3A_61 = tpu.vector_load %arg17[%swap3A] {strides = array<i32>} : memref<64xf32, #tpu.memory_space<vmem>>, vector<16xf32>,
        tpu.vector_store %arg17[%swap3A], %broadcast_in_dim3A_59 {strides = array<i32>} : memref<64xf32, #tpu.memory_space<vmem>>, vector<16xf32>,
      }
      %scan3A_12 = arith.constant 4 : i32
      %scan3A_13 = arith.constant 0 : i32
      %scan3A_14 = arith.constant 256 : i32
      %scan3A_15 = arith.addi %scan3A_13, %scan3A_14 : i32
      %scan3A_16 = arith.constant 1 : i32
      scf.for %scan3A_58 = %scan3A_13 to %scan3A_15 step %scan3A_16  : i32 {
        %broadcast_in_dim3A = arith.constant 0.000000e+00 : f32
        %broadcast_in_dim3A_59 = vector.broadcast %broadcast_in_dim3A : f32 to vector<16xf32>
        %mul3A = arith.constant 16 : i32
        %mul3A_60 = arith.muli %scan3A_58, %mul3A : i32
        %swap3A = arith.index_cast %mul3A_60 : i32 to index
        %swap3A_61 = tpu.vector_load %arg19[%swap3A] {strides = array<i32>} : memref<4096xf32, #tpu.memory_space<vmem>>, vector<16xf32>,
        tpu.vector_store %arg19[%swap3A], %broadcast_in_dim3A_59 {strides = array<i32>} : memref<4096xf32, #tpu.memory_space<vmem>>, vector<16xf32>,
      }
      %scan3A_17 = arith.constant 256 : i32
      %scan3A_18 = arith.constant 0 : i32
      %scan3A_19 = arith.constant 260 : i32
      %scan3A_20 = arith.addi %scan3A_18, %scan3A_19 : i32
      %scan3A_21 = arith.constant 1 : i32
      scf.for %scan3A_58 = %scan3A_18 to %scan3A_20 step %scan3A_21  : i32 {
        %mul3A = arith.constant 16 : i32
        %mul3A_59 = arith.muli %scan3A_58, %mul3A : i32
        %get3A = arith.index_cast %mul3A_59 : i32 to index
        %get3A_60 = tpu.vector_load %arg11[%get3A] {strides = array<i32>} : memref<4160xi32, #tpu.memory_space<vmem>>, vector<16xi32>,
        %get3A_61 = arith.index_cast %mul3A_59 : i32 to index
        %get3A_62 = tpu.vector_load %arg12[%get3A_61] {strides = array<i32>} : memref<4160xf32, #tpu.memory_space<vmem>>, vector<16xf32>,
        %abs3A = math.absf %get3A_62 : vector<16xf32>
        tpu.vector_store_idx %arg17[%get3A_60], %abs3A {add = true} : memref<64xf32, #tpu.memory_space<vmem>>[vector<16xi32>], vector<16xf32>,
      }
      %scan3A_22 = arith.constant 260 : i32
      %scan3A_23 = arith.constant 0 : i32
      %scan3A_24 = arith.constant 4 : i32
      %scan3A_25 = arith.addi %scan3A_23, %scan3A_24 : i32
      %scan3A_26 = arith.constant 1 : i32
      scf.for %scan3A_58 = %scan3A_23 to %scan3A_25 step %scan3A_26  : i32 {
        %mul3A = arith.constant 16 : i32
        %mul3A_59 = arith.muli %scan3A_58, %mul3A : i32
        %get3A = arith.index_cast %mul3A_59 : i32 to index
        %get3A_60 = tpu.vector_load %arg17[%get3A] {strides = array<i32>} : memref<64xf32, #tpu.memory_space<vmem>>, vector<16xf32>,
        %max3A = arith.constant 9.99999996E-13 : f32
        %max3A_61 = vector.broadcast %max3A : f32 to vector<16xf32>
        %max3A_62 = arith.maximumf %get3A_60, %max3A_61 : vector<16xf32>
        %bitcast3A = vector.bitcast %max3A_62 : vector<16xf32> to vector<16xi32>
        %shift_right_arithmetic3A = arith.constant 1 : i32
        %shift_right_arithmetic3A_63 = vector.broadcast %shift_right_arithmetic3A : i32 to vector<16xi32>
        %shift_right_arithmetic3A_64 = arith.shrsi %bitcast3A, %shift_right_arithmetic3A_63 : vector<16xi32>
        %sub3A = arith.constant 1597463007 : i32
        %sub3A_65 = vector.broadcast %sub3A : i32 to vector<16xi32>
        %sub3A_66 = arith.subi %sub3A_65, %shift_right_arithmetic3A_64 : vector<16xi32>
        %bitcast3A_67 = vector.bitcast %sub3A_66 : vector<16xi32> to vector<16xf32>
        %mul3A_68 = arith.constant 5.000000e-01 : f32
        %mul3A_69 = vector.broadcast %mul3A_68 : f32 to vector<16xf32>
        %mul3A_70 = arith.mulf %max3A_62, %mul3A_69 : vector<16xf32>
        %mul3A_71 = arith.mulf %mul3A_70, %bitcast3A_67 : vector<16xf32>
        %mul3A_72 = arith.mulf %mul3A_71, %bitcast3A_67 : vector<16xf32>
        %sub3A_73 = arith.constant 1.500000e+00 : f32
        %sub3A_74 = vector.broadcast %sub3A_73 : f32 to vector<16xf32>
        %sub3A_75 = arith.subf %sub3A_74, %mul3A_72 : vector<16xf32>
        %mul3A_76 = arith.mulf %bitcast3A_67, %sub3A_75 : vector<16xf32>
        %mul3A_77 = arith.mulf %mul3A_70, %mul3A_76 : vector<16xf32>
        %mul3A_78 = arith.mulf %mul3A_77, %mul3A_76 : vector<16xf32>
        %sub3A_79 = arith.constant 1.500000e+00 : f32
        %sub3A_80 = vector.broadcast %sub3A_79 : f32 to vector<16xf32>
        %sub3A_81 = arith.subf %sub3A_80, %mul3A_78 : vector<16xf32>
        %mul3A_82 = arith.mulf %mul3A_76, %sub3A_81 : vector<16xf32>
        %mul3A_83 = arith.mulf %mul3A_70, %mul3A_82 : vector<16xf32>
        %mul3A_84 = arith.mulf %mul3A_83, %mul3A_82 : vector<16xf32>
        %sub3A_85 = arith.constant 1.500000e+00 : f32
        %sub3A_86 = vector.broadcast %sub3A_85 : f32 to vector<16xf32>
        %sub3A_87 = arith.subf %sub3A_86, %mul3A_84 : vector<16xf32>
        %mul3A_88 = arith.mulf %mul3A_82, %sub3A_87 : vector<16xf32>
        %mul3A_89 = arith.mulf %mul3A_70, %mul3A_88 : vector<16xf32>
        %mul3A_90 = arith.mulf %mul3A_89, %mul3A_88 : vector<16xf32>
        %sub3A_91 = arith.constant 1.500000e+00 : f32
        %sub3A_92 = vector.broadcast %sub3A_91 : f32 to vector<16xf32>
        %sub3A_93 = arith.subf %sub3A_92, %mul3A_90 : vector<16xf32>
        %mul3A_94 = arith.mulf %mul3A_88, %sub3A_93 : vector<16xf32>
        %gt3A = arith.constant 0.000000e+00 : f32
        %gt3A_95 = vector.broadcast %gt3A : f32 to vector<16xf32>
        %gt3A_96 = arith.cmpf ogt, %get3A_60, %gt3A_95 : vector<16xf32>
        %jit3A = arith.constant 0.000000e+00 : f32
        %broadcast_in_dim3A = vector.broadcast %jit3A : f32 to vector<16xf32>
        %select_n3A = arith.select %gt3A_96, %mul3A_94, %broadcast_in_dim3A : vector<16xi1>, vector<16xf32>
        %swap3A = arith.index_cast %mul3A_59 : i32 to index
        %swap3A_97 = tpu.vector_load %arg18[%swap3A] {strides = array<i32>} : memref<64xf32, #tpu.memory_space<vmem>>, vector<16xf32>,
        tpu.vector_store %arg18[%swap3A], %select_n3A {strides = array<i32>} : memref<64xf32, #tpu.memory_space<vmem>>, vector<16xf32>,
      }
      %scan3A_27 = arith.constant 4 : i32
      %scan3A_28 = arith.constant 0 : i32
      %scan3A_29 = arith.constant 260 : i32
      %scan3A_30 = arith.addi %scan3A_28, %scan3A_29 : i32
      %scan3A_31 = arith.constant 1 : i32
      scf.for %scan3A_58 = %scan3A_28 to %scan3A_30 step %scan3A_31  : i32 {
        %mul3A = arith.constant 16 : i32
        %mul3A_59 = arith.muli %scan3A_58, %mul3A : i32
        %get3A = arith.index_cast %mul3A_59 : i32 to index
        %get3A_60 = tpu.vector_load %arg10[%get3A] {strides = array<i32>} : memref<4160xi32, #tpu.memory_space<vmem>>, vector<16xi32>,
        %get3A_61 = arith.index_cast %mul3A_59 : i32 to index
        %get3A_62 = tpu.vector_load %arg11[%get3A_61] {strides = array<i32>} : memref<4160xi32, #tpu.memory_space<vmem>>, vector<16xi32>,
        %gather3A = tpu.vector_load_idx %arg18[%get3A_60] : memref<64xf32, #tpu.memory_space<vmem>>[vector<16xi32>], vector<16xf32>,
        %gather3A_63 = tpu.vector_load_idx %arg18[%get3A_62] : memref<64xf32, #tpu.memory_space<vmem>>[vector<16xi32>], vector<16xf32>,
        %get3A_64 = arith.index_cast %mul3A_59 : i32 to index
        %get3A_65 = tpu.vector_load %arg12[%get3A_64] {strides = array<i32>} : memref<4160xf32, #tpu.memory_space<vmem>>, vector<16xf32>,
        %mul3A_66 = arith.mulf %gather3A, %get3A_65 : vector<16xf32>
        %mul3A_67 = arith.mulf %mul3A_66, %gather3A_63 : vector<16xf32>
        %mul3A_68 = arith.constant 64 : i32
        %mul3A_69 = vector.broadcast %mul3A_68 : i32 to vector<16xi32>
        %mul3A_70 = arith.muli %get3A_62, %mul3A_69 : vector<16xi32>
        %add3A = arith.addi %mul3A_70, %get3A_60 : vector<16xi32>
        tpu.vector_store_idx %arg19[%add3A], %mul3A_67 {add = true} : memref<4096xf32, #tpu.memory_space<vmem>>[vector<16xi32>], vector<16xf32>,
      }
      %scan3A_32 = arith.constant 260 : i32
      "tpu.region"() ({
        %run_scoped3A = tpu.sem_alloc : memref<!tpu.dma_semaphore, #tpu.memory_space<semaphore_mem>>
        tpu.enqueue_dma source(%arg19 : memref<4096xf32, #tpu.memory_space<vmem>>) target(%arg8 : memref<4096xf32, #tpu.memory_space<hbm>>) target_semaphore(%run_scoped3A : memref<!tpu.dma_semaphore, #tpu.memory_space<semaphore_mem>>)
        tpu.wait_dma2 semaphore(%run_scoped3A : memref<!tpu.dma_semaphore, #tpu.memory_space<semaphore_mem>>) src(%arg19 : memref<4096xf32, #tpu.memory_space<vmem>>) dst(%arg8 : memref<4096xf32, #tpu.memory_space<hbm>>)
        tpu.yield
      }) : () -> ()
      %scan3A_33 = arith.constant 0 : i32
      %scan3A_34 = arith.constant 4 : i32
      %scan3A_35 = arith.addi %scan3A_33, %scan3A_34 : i32
      %scan3A_36 = arith.constant 1 : i32
      scf.for %scan3A_58 = %scan3A_33 to %scan3A_35 step %scan3A_36  : i32 {
        %broadcast_in_dim3A = arith.constant 0.000000e+00 : f32
        %broadcast_in_dim3A_59 = vector.broadcast %broadcast_in_dim3A : f32 to vector<16xf32>
        %mul3A = arith.constant 16 : i32
        %mul3A_60 = arith.muli %scan3A_58, %mul3A : i32
        %swap3A = arith.index_cast %mul3A_60 : i32 to index
        %swap3A_61 = tpu.vector_load %arg17[%swap3A] {strides = array<i32>} : memref<64xf32, #tpu.memory_space<vmem>>, vector<16xf32>,
        tpu.vector_store %arg17[%swap3A], %broadcast_in_dim3A_59 {strides = array<i32>} : memref<64xf32, #tpu.memory_space<vmem>>, vector<16xf32>,
      }
      %scan3A_37 = arith.constant 4 : i32
      %scan3A_38 = arith.constant 0 : i32
      %scan3A_39 = arith.constant 256 : i32
      %scan3A_40 = arith.addi %scan3A_38, %scan3A_39 : i32
      %scan3A_41 = arith.constant 1 : i32
      scf.for %scan3A_58 = %scan3A_38 to %scan3A_40 step %scan3A_41  : i32 {
        %broadcast_in_dim3A = arith.constant 0.000000e+00 : f32
        %broadcast_in_dim3A_59 = vector.broadcast %broadcast_in_dim3A : f32 to vector<16xf32>
        %mul3A = arith.constant 16 : i32
        %mul3A_60 = arith.muli %scan3A_58, %mul3A : i32
        %swap3A = arith.index_cast %mul3A_60 : i32 to index
        %swap3A_61 = tpu.vector_load %arg19[%swap3A] {strides = array<i32>} : memref<4096xf32, #tpu.memory_space<vmem>>, vector<16xf32>,
        tpu.vector_store %arg19[%swap3A], %broadcast_in_dim3A_59 {strides = array<i32>} : memref<4096xf32, #tpu.memory_space<vmem>>, vector<16xf32>,
      }
      %scan3A_42 = arith.constant 256 : i32
      %scan3A_43 = arith.constant 0 : i32
      %scan3A_44 = arith.constant 260 : i32
      %scan3A_45 = arith.addi %scan3A_43, %scan3A_44 : i32
      %scan3A_46 = arith.constant 1 : i32
      scf.for %scan3A_58 = %scan3A_43 to %scan3A_45 step %scan3A_46  : i32 {
        %mul3A = arith.constant 16 : i32
        %mul3A_59 = arith.muli %scan3A_58, %mul3A : i32
        %get3A = arith.index_cast %mul3A_59 : i32 to index
        %get3A_60 = tpu.vector_load %arg11[%get3A] {strides = array<i32>} : memref<4160xi32, #tpu.memory_space<vmem>>, vector<16xi32>,
        %get3A_61 = arith.index_cast %mul3A_59 : i32 to index
        %get3A_62 = tpu.vector_load %arg13[%get3A_61] {strides = array<i32>} : memref<4160xf32, #tpu.memory_space<vmem>>, vector<16xf32>,
        %abs3A = math.absf %get3A_62 : vector<16xf32>
        tpu.vector_store_idx %arg17[%get3A_60], %abs3A {add = true} : memref<64xf32, #tpu.memory_space<vmem>>[vector<16xi32>], vector<16xf32>,
      }
      %scan3A_47 = arith.constant 260 : i32
      %scan3A_48 = arith.constant 0 : i32
      %scan3A_49 = arith.constant 4 : i32
      %scan3A_50 = arith.addi %scan3A_48, %scan3A_49 : i32
      %scan3A_51 = arith.constant 1 : i32
      scf.for %scan3A_58 = %scan3A_48 to %scan3A_50 step %scan3A_51  : i32 {
        %mul3A = arith.constant 16 : i32
        %mul3A_59 = arith.muli %scan3A_58, %mul3A : i32
        %get3A = arith.index_cast %mul3A_59 : i32 to index
        %get3A_60 = tpu.vector_load %arg17[%get3A] {strides = array<i32>} : memref<64xf32, #tpu.memory_space<vmem>>, vector<16xf32>,
        %max3A = arith.constant 9.99999996E-13 : f32
        %max3A_61 = vector.broadcast %max3A : f32 to vector<16xf32>
        %max3A_62 = arith.maximumf %get3A_60, %max3A_61 : vector<16xf32>
        %bitcast3A = vector.bitcast %max3A_62 : vector<16xf32> to vector<16xi32>
        %shift_right_arithmetic3A = arith.constant 1 : i32
        %shift_right_arithmetic3A_63 = vector.broadcast %shift_right_arithmetic3A : i32 to vector<16xi32>
        %shift_right_arithmetic3A_64 = arith.shrsi %bitcast3A, %shift_right_arithmetic3A_63 : vector<16xi32>
        %sub3A = arith.constant 1597463007 : i32
        %sub3A_65 = vector.broadcast %sub3A : i32 to vector<16xi32>
        %sub3A_66 = arith.subi %sub3A_65, %shift_right_arithmetic3A_64 : vector<16xi32>
        %bitcast3A_67 = vector.bitcast %sub3A_66 : vector<16xi32> to vector<16xf32>
        %mul3A_68 = arith.constant 5.000000e-01 : f32
        %mul3A_69 = vector.broadcast %mul3A_68 : f32 to vector<16xf32>
        %mul3A_70 = arith.mulf %max3A_62, %mul3A_69 : vector<16xf32>
        %mul3A_71 = arith.mulf %mul3A_70, %bitcast3A_67 : vector<16xf32>
        %mul3A_72 = arith.mulf %mul3A_71, %bitcast3A_67 : vector<16xf32>
        %sub3A_73 = arith.constant 1.500000e+00 : f32
        %sub3A_74 = vector.broadcast %sub3A_73 : f32 to vector<16xf32>
        %sub3A_75 = arith.subf %sub3A_74, %mul3A_72 : vector<16xf32>
        %mul3A_76 = arith.mulf %bitcast3A_67, %sub3A_75 : vector<16xf32>
        %mul3A_77 = arith.mulf %mul3A_70, %mul3A_76 : vector<16xf32>
        %mul3A_78 = arith.mulf %mul3A_77, %mul3A_76 : vector<16xf32>
        %sub3A_79 = arith.constant 1.500000e+00 : f32
        %sub3A_80 = vector.broadcast %sub3A_79 : f32 to vector<16xf32>
        %sub3A_81 = arith.subf %sub3A_80, %mul3A_78 : vector<16xf32>
        %mul3A_82 = arith.mulf %mul3A_76, %sub3A_81 : vector<16xf32>
        %mul3A_83 = arith.mulf %mul3A_70, %mul3A_82 : vector<16xf32>
        %mul3A_84 = arith.mulf %mul3A_83, %mul3A_82 : vector<16xf32>
        %sub3A_85 = arith.constant 1.500000e+00 : f32
        %sub3A_86 = vector.broadcast %sub3A_85 : f32 to vector<16xf32>
        %sub3A_87 = arith.subf %sub3A_86, %mul3A_84 : vector<16xf32>
        %mul3A_88 = arith.mulf %mul3A_82, %sub3A_87 : vector<16xf32>
        %mul3A_89 = arith.mulf %mul3A_70, %mul3A_88 : vector<16xf32>
        %mul3A_90 = arith.mulf %mul3A_89, %mul3A_88 : vector<16xf32>
        %sub3A_91 = arith.constant 1.500000e+00 : f32
        %sub3A_92 = vector.broadcast %sub3A_91 : f32 to vector<16xf32>
        %sub3A_93 = arith.subf %sub3A_92, %mul3A_90 : vector<16xf32>
        %mul3A_94 = arith.mulf %mul3A_88, %sub3A_93 : vector<16xf32>
        %gt3A = arith.constant 0.000000e+00 : f32
        %gt3A_95 = vector.broadcast %gt3A : f32 to vector<16xf32>
        %gt3A_96 = arith.cmpf ogt, %get3A_60, %gt3A_95 : vector<16xf32>
        %jit3A = arith.constant 0.000000e+00 : f32
        %broadcast_in_dim3A = vector.broadcast %jit3A : f32 to vector<16xf32>
        %select_n3A = arith.select %gt3A_96, %mul3A_94, %broadcast_in_dim3A : vector<16xi1>, vector<16xf32>
        %swap3A = arith.index_cast %mul3A_59 : i32 to index
        %swap3A_97 = tpu.vector_load %arg18[%swap3A] {strides = array<i32>} : memref<64xf32, #tpu.memory_space<vmem>>, vector<16xf32>,
        tpu.vector_store %arg18[%swap3A], %select_n3A {strides = array<i32>} : memref<64xf32, #tpu.memory_space<vmem>>, vector<16xf32>,
      }
      %scan3A_52 = arith.constant 4 : i32
      %scan3A_53 = arith.constant 0 : i32
      %scan3A_54 = arith.constant 260 : i32
      %scan3A_55 = arith.addi %scan3A_53, %scan3A_54 : i32
      %scan3A_56 = arith.constant 1 : i32
      scf.for %scan3A_58 = %scan3A_53 to %scan3A_55 step %scan3A_56  : i32 {
        %mul3A = arith.constant 16 : i32
        %mul3A_59 = arith.muli %scan3A_58, %mul3A : i32
        %get3A = arith.index_cast %mul3A_59 : i32 to index
        %get3A_60 = tpu.vector_load %arg10[%get3A] {strides = array<i32>} : memref<4160xi32, #tpu.memory_space<vmem>>, vector<16xi32>,
        %get3A_61 = arith.index_cast %mul3A_59 : i32 to index
        %get3A_62 = tpu.vector_load %arg11[%get3A_61] {strides = array<i32>} : memref<4160xi32, #tpu.memory_space<vmem>>, vector<16xi32>,
        %gather3A = tpu.vector_load_idx %arg18[%get3A_60] : memref<64xf32, #tpu.memory_space<vmem>>[vector<16xi32>], vector<16xf32>,
        %gather3A_63 = tpu.vector_load_idx %arg18[%get3A_62] : memref<64xf32, #tpu.memory_space<vmem>>[vector<16xi32>], vector<16xf32>,
        %get3A_64 = arith.index_cast %mul3A_59 : i32 to index
        %get3A_65 = tpu.vector_load %arg13[%get3A_64] {strides = array<i32>} : memref<4160xf32, #tpu.memory_space<vmem>>, vector<16xf32>,
        %mul3A_66 = arith.mulf %gather3A, %get3A_65 : vector<16xf32>
        %mul3A_67 = arith.mulf %mul3A_66, %gather3A_63 : vector<16xf32>
        %mul3A_68 = arith.constant 64 : i32
        %mul3A_69 = vector.broadcast %mul3A_68 : i32 to vector<16xi32>
        %mul3A_70 = arith.muli %get3A_62, %mul3A_69 : vector<16xi32>
        %add3A = arith.addi %mul3A_70, %get3A_60 : vector<16xi32>
        tpu.vector_store_idx %arg19[%add3A], %mul3A_67 {add = true} : memref<4096xf32, #tpu.memory_space<vmem>>[vector<16xi32>], vector<16xf32>,
      }
      %scan3A_57 = arith.constant 260 : i32
      "tpu.region"() ({
        %run_scoped3A = tpu.sem_alloc : memref<!tpu.dma_semaphore, #tpu.memory_space<semaphore_mem>>
        tpu.enqueue_dma source(%arg19 : memref<4096xf32, #tpu.memory_space<vmem>>) target(%arg9 : memref<4096xf32, #tpu.memory_space<hbm>>) target_semaphore(%run_scoped3A : memref<!tpu.dma_semaphore, #tpu.memory_space<semaphore_mem>>)
        tpu.wait_dma2 semaphore(%run_scoped3A : memref<!tpu.dma_semaphore, #tpu.memory_space<semaphore_mem>>) src(%arg19 : memref<4096xf32, #tpu.memory_space<vmem>>) dst(%arg9 : memref<4096xf32, #tpu.memory_space<hbm>>)
        tpu.yield
      }) : () -> ()
    } else {
    }
    return
  }
}

module attributes {stable_mosaic.version = 14 : i64} {
  func.func @_s1_body(%arg0: i32, %arg1: memref<32x64x657xf32, #tpu.memory_space<vmem>>, %arg2: memref<657x82xf32, #tpu.memory_space<vmem>>, %arg3: memref<82x657xf32, #tpu.memory_space<vmem>>, %arg4: memref<64x64xf32, #tpu.memory_space<vmem>>, %arg5: memref<64x64xf32, #tpu.memory_space<vmem>>, %arg6: memref<657x41xf32, #tpu.memory_space<vmem>>, %arg7: memref<32x64x41xf32, #tpu.memory_space<vmem>>) attributes {dimension_semantics = [#tpu.dimension_semantics<arbitrary>], iteration_bounds = array<i64: 8>, scalar_prefetch = 0 : i64, scratch_operands = 0 : i64, tpu.core_type = #tpu.core_type<tc>, window_params = [{transform_indices = @transform_0, window_bounds = array<i64: 32, 64, 657>}, {pipeline_mode = #tpu.pipeline_mode<synchronous>, transform_indices = @transform_1, window_bounds = array<i64: 657, 82>}, {pipeline_mode = #tpu.pipeline_mode<synchronous>, transform_indices = @transform_2, window_bounds = array<i64: 82, 657>}, {pipeline_mode = #tpu.pipeline_mode<synchronous>, transform_indices = @transform_3, window_bounds = array<i64: 64, 64>}, {pipeline_mode = #tpu.pipeline_mode<synchronous>, transform_indices = @transform_4, window_bounds = array<i64: 64, 64>}, {pipeline_mode = #tpu.pipeline_mode<synchronous>, transform_indices = @transform_5, window_bounds = array<i64: 657, 41>}, {transform_indices = @transform_6, window_bounds = array<i64: 32, 64, 41>}]} {
    %get3A = arith.constant 0 : index
    %get3A_0 = arith.constant 0 : index
    %get3A_1 = arith.constant 0 : index
    %get3A_2 = vector.load %arg1[%get3A, %get3A_0, %get3A_1] : memref<32x64x657xf32, #tpu.memory_space<vmem>>, vector<32x64x657xf32>
    %reduce_sum3A = arith.constant dense<0.000000e+00> : vector<32x657xf32>
    %reduce_sum3A_3 = vector.multi_reduction <add>, %get3A_2, %reduce_sum3A [1] : vector<32x64x657xf32> to vector<32x657xf32>
    %div3A = arith.constant 6.400000e+01 : f32
    %div3A_4 = vector.broadcast %div3A : f32 to vector<32x657xf32>
    %div3A_5 = arith.divf %reduce_sum3A_3, %div3A_4 : vector<32x657xf32>
    %reduce_max3A = arith.constant dense<0xFF800000> : vector<32x657xf32>
    %reduce_max3A_6 = vector.multi_reduction <maximumf>, %get3A_2, %reduce_max3A [1] : vector<32x64x657xf32> to vector<32x657xf32>
    %get3A_7 = arith.constant 0 : index
    %get3A_8 = arith.constant 0 : index
    %get3A_9 = vector.load %arg2[%get3A_7, %get3A_8] : memref<657x82xf32, #tpu.memory_space<vmem>>, vector<657x82xf32>
    %get3A_10 = arith.constant 0 : index
    %get3A_11 = arith.constant 0 : index
    %get3A_12 = vector.load %arg3[%get3A_10, %get3A_11] : memref<82x657xf32, #tpu.memory_space<vmem>>, vector<82x657xf32>
    %dot_general3A = arith.constant dense<0.000000e+00> : vector<32x82xf32>
    %dot_general3A_13 = tpu.matmul %div3A_5, %get3A_9, %dot_general3A {dimension_numbers = #tpu.dot_dimension_numbers<[1], [0], [0], [1], [0, 0, 1, 1], [], []>, transpose_lhs_hint = false} : vector<32x657xf32>, vector<657x82xf32>, vector<32x82xf32> -> vector<32x82xf32>
    %max3A = arith.constant 0.000000e+00 : f32
    %max3A_14 = vector.broadcast %max3A : f32 to vector<32x82xf32>
    %max3A_15 = arith.maximumf %dot_general3A_13, %max3A_14 : vector<32x82xf32>
    %dot_general3A_16 = arith.constant dense<0.000000e+00> : vector<32x657xf32>
    %dot_general3A_17 = tpu.matmul %max3A_15, %get3A_12, %dot_general3A_16 {dimension_numbers = #tpu.dot_dimension_numbers<[1], [0], [0], [1], [0, 0, 1, 1], [], []>, transpose_lhs_hint = false} : vector<32x82xf32>, vector<82x657xf32>, vector<32x657xf32> -> vector<32x657xf32>
    %dot_general3A_18 = arith.constant dense<0.000000e+00> : vector<32x82xf32>
    %dot_general3A_19 = tpu.matmul %reduce_max3A_6, %get3A_9, %dot_general3A_18 {dimension_numbers = #tpu.dot_dimension_numbers<[1], [0], [0], [1], [0, 0, 1, 1], [], []>, transpose_lhs_hint = false} : vector<32x657xf32>, vector<657x82xf32>, vector<32x82xf32> -> vector<32x82xf32>
    %max3A_20 = arith.constant 0.000000e+00 : f32
    %max3A_21 = vector.broadcast %max3A_20 : f32 to vector<32x82xf32>
    %max3A_22 = arith.maximumf %dot_general3A_19, %max3A_21 : vector<32x82xf32>
    %dot_general3A_23 = arith.constant dense<0.000000e+00> : vector<32x657xf32>
    %dot_general3A_24 = tpu.matmul %max3A_22, %get3A_12, %dot_general3A_23 {dimension_numbers = #tpu.dot_dimension_numbers<[1], [0], [0], [1], [0, 0, 1, 1], [], []>, transpose_lhs_hint = false} : vector<32x82xf32>, vector<82x657xf32>, vector<32x657xf32> -> vector<32x657xf32>
    %add3A = arith.addf %dot_general3A_17, %dot_general3A_24 : vector<32x657xf32>
    %logistic3A = arith.negf %add3A : vector<32x657xf32>
    %logistic3A_25 = math.exp %logistic3A : vector<32x657xf32>
    %logistic3A_26 = arith.constant 1.000000e+00 : f32
    %logistic3A_27 = vector.broadcast %logistic3A_26 : f32 to vector<32x657xf32>
    %logistic3A_28 = arith.addf %logistic3A_27, %logistic3A_25 : vector<32x657xf32>
    %logistic3A_29 = arith.divf %logistic3A_27, %logistic3A_28 : vector<32x657xf32>
    %broadcast_in_dim3A = vector.shape_cast %logistic3A_29 : vector<32x657xf32> to vector<32x1x657xf32>
    %mul3A = vector.broadcast %broadcast_in_dim3A : vector<32x1x657xf32> to vector<32x64x657xf32>
    %mul3A_30 = arith.mulf %get3A_2, %mul3A : vector<32x64x657xf32>
    %reduce_sum3A_31 = arith.constant dense<0.000000e+00> : vector<32x64xf32>
    %reduce_sum3A_32 = vector.multi_reduction <add>, %mul3A_30, %reduce_sum3A_31 [2] : vector<32x64x657xf32> to vector<32x64xf32>
    %div3A_33 = arith.constant 6.570000e+02 : f32
    %div3A_34 = vector.broadcast %div3A_33 : f32 to vector<32x64xf32>
    %div3A_35 = arith.divf %reduce_sum3A_32, %div3A_34 : vector<32x64xf32>
    %reduce_max3A_36 = arith.constant dense<0xFF800000> : vector<32x64xf32>
    %reduce_max3A_37 = vector.multi_reduction <maximumf>, %mul3A_30, %reduce_max3A_36 [2] : vector<32x64x657xf32> to vector<32x64xf32>
    %get3A_38 = arith.constant 0 : index
    %get3A_39 = arith.constant 0 : index
    %get3A_40 = vector.load %arg4[%get3A_38, %get3A_39] : memref<64x64xf32, #tpu.memory_space<vmem>>, vector<64x64xf32>
    %dot_general3A_41 = arith.constant dense<0.000000e+00> : vector<32x64xf32>
    %dot_general3A_42 = tpu.matmul %div3A_35, %get3A_40, %dot_general3A_41 {dimension_numbers = #tpu.dot_dimension_numbers<[1], [0], [0], [1], [0, 0, 1, 1], [], []>, transpose_lhs_hint = false} : vector<32x64xf32>, vector<64x64xf32>, vector<32x64xf32> -> vector<32x64xf32>
    %get3A_43 = arith.constant 0 : index
    %get3A_44 = arith.constant 0 : index
    %get3A_45 = vector.load %arg5[%get3A_43, %get3A_44] : memref<64x64xf32, #tpu.memory_space<vmem>>, vector<64x64xf32>
    %dot_general3A_46 = arith.constant dense<0.000000e+00> : vector<32x64xf32>
    %dot_general3A_47 = tpu.matmul %reduce_max3A_37, %get3A_45, %dot_general3A_46 {dimension_numbers = #tpu.dot_dimension_numbers<[1], [0], [0], [1], [0, 0, 1, 1], [], []>, transpose_lhs_hint = false} : vector<32x64xf32>, vector<64x64xf32>, vector<32x64xf32> -> vector<32x64xf32>
    %add3A_48 = arith.addf %dot_general3A_42, %dot_general3A_47 : vector<32x64xf32>
    %logistic3A_49 = arith.negf %add3A_48 : vector<32x64xf32>
    %logistic3A_50 = math.exp %logistic3A_49 : vector<32x64xf32>
    %logistic3A_51 = arith.constant 1.000000e+00 : f32
    %logistic3A_52 = vector.broadcast %logistic3A_51 : f32 to vector<32x64xf32>
    %logistic3A_53 = arith.addf %logistic3A_52, %logistic3A_50 : vector<32x64xf32>
    %logistic3A_54 = arith.divf %logistic3A_52, %logistic3A_53 : vector<32x64xf32>
    %broadcast_in_dim3A_55 = vector.shape_cast %logistic3A_54 : vector<32x64xf32> to vector<32x64x1xf32>
    %mul3A_56 = vector.broadcast %broadcast_in_dim3A_55 : vector<32x64x1xf32> to vector<32x64x657xf32>
    %mul3A_57 = arith.mulf %mul3A_30, %mul3A_56 : vector<32x64x657xf32>
    %reshape3A = vector.shape_cast %mul3A_57 : vector<32x64x657xf32> to vector<2048x657xf32>
    %get3A_58 = arith.constant 0 : index
    %get3A_59 = arith.constant 0 : index
    %get3A_60 = vector.load %arg6[%get3A_58, %get3A_59] : memref<657x41xf32, #tpu.memory_space<vmem>>, vector<657x41xf32>
    %dot_general3A_61 = arith.constant dense<0.000000e+00> : vector<2048x41xf32>
    %dot_general3A_62 = tpu.matmul %reshape3A, %get3A_60, %dot_general3A_61 {dimension_numbers = #tpu.dot_dimension_numbers<[1], [0], [0], [1], [0, 0, 1, 1], [], []>, transpose_lhs_hint = false} : vector<2048x657xf32>, vector<657x41xf32>, vector<2048x41xf32> -> vector<2048x41xf32>
    %reshape3A_63 = vector.shape_cast %dot_general3A_62 : vector<2048x41xf32> to vector<32x64x41xf32>
    %swap3A = arith.constant 0 : index
    %swap3A_64 = arith.constant 0 : index
    %swap3A_65 = arith.constant 0 : index
    %swap3A_66 = vector.load %arg7[%swap3A, %swap3A_64, %swap3A_65] : memref<32x64x41xf32, #tpu.memory_space<vmem>>, vector<32x64x41xf32>
    tpu.vector_store %arg7[%swap3A, %swap3A_64, %swap3A_65], %reshape3A_63 {strides = array<i32>} : memref<32x64x41xf32, #tpu.memory_space<vmem>>, vector<32x64x41xf32>,
    return
  }
  func.func @transform_0(%arg0: i32) -> (i32, i32, i32) {
    %c0_i32 = arith.constant 0 : i32
    %c0_i32_0 = arith.constant 0 : i32
    %c0_i32_1 = arith.constant 0 : i32
    return %arg0, %c0_i32, %c0_i32_0 : i32, i32, i32
  }
  func.func @transform_1(%arg0: i32) -> (i32, i32) {
    %c0_i32 = arith.constant 0 : i32
    %c0_i32_0 = arith.constant 0 : i32
    %c0_i32_1 = arith.constant 0 : i32
    return %c0_i32, %c0_i32_0 : i32, i32
  }
  func.func @transform_2(%arg0: i32) -> (i32, i32) {
    %c0_i32 = arith.constant 0 : i32
    %c0_i32_0 = arith.constant 0 : i32
    %c0_i32_1 = arith.constant 0 : i32
    return %c0_i32, %c0_i32_0 : i32, i32
  }
  func.func @transform_3(%arg0: i32) -> (i32, i32) {
    %c0_i32 = arith.constant 0 : i32
    %c0_i32_0 = arith.constant 0 : i32
    %c0_i32_1 = arith.constant 0 : i32
    return %c0_i32, %c0_i32_0 : i32, i32
  }
  func.func @transform_4(%arg0: i32) -> (i32, i32) {
    %c0_i32 = arith.constant 0 : i32
    %c0_i32_0 = arith.constant 0 : i32
    %c0_i32_1 = arith.constant 0 : i32
    return %c0_i32, %c0_i32_0 : i32, i32
  }
  func.func @transform_5(%arg0: i32) -> (i32, i32) {
    %c0_i32 = arith.constant 0 : i32
    %c0_i32_0 = arith.constant 0 : i32
    %c0_i32_1 = arith.constant 0 : i32
    return %c0_i32, %c0_i32_0 : i32, i32
  }
  func.func @transform_6(%arg0: i32) -> (i32, i32, i32) {
    %c0_i32 = arith.constant 0 : i32
    %c0_i32_0 = arith.constant 0 : i32
    %c0_i32_1 = arith.constant 0 : i32
    return %arg0, %c0_i32, %c0_i32_0 : i32, i32, i32
  }
}

module attributes {stable_mosaic.version = 14 : i64} {
  func.func @_s3_body(%arg0: memref<256x64x41xf32, #tpu.memory_space<vmem>>, %arg1: memref<64x64xf32, #tpu.memory_space<vmem>>, %arg2: memref<64x64xf32, #tpu.memory_space<vmem>>, %arg3: memref<41x16xf32, #tpu.memory_space<vmem>>, %arg4: memref<1x16xf32, #tpu.memory_space<vmem>>, %arg5: memref<1x16xf32, #tpu.memory_space<vmem>>, %arg6: memref<1x16xf32, #tpu.memory_space<vmem>>, %arg7: memref<16x4xf32, #tpu.memory_space<vmem>>, %arg8: memref<1x4xf32, #tpu.memory_space<vmem>>, %arg9: memref<1x4xf32, #tpu.memory_space<vmem>>, %arg10: memref<1x4xf32, #tpu.memory_space<vmem>>, %arg11: memref<41x16xf32, #tpu.memory_space<vmem>>, %arg12: memref<1x16xf32, #tpu.memory_space<vmem>>, %arg13: memref<1x16xf32, #tpu.memory_space<vmem>>, %arg14: memref<1x16xf32, #tpu.memory_space<vmem>>, %arg15: memref<16x4xf32, #tpu.memory_space<vmem>>, %arg16: memref<1x4xf32, #tpu.memory_space<vmem>>, %arg17: memref<1x4xf32, #tpu.memory_space<vmem>>, %arg18: memref<1x4xf32, #tpu.memory_space<vmem>>, %arg19: memref<64x32xf32, #tpu.memory_space<vmem>>, %arg20: memref<64x32xf32, #tpu.memory_space<vmem>>, %arg21: memref<1x32xf32, #tpu.memory_space<vmem>>, %arg22: memref<1x32xf32, #tpu.memory_space<vmem>>, %arg23: memref<1x32xf32, #tpu.memory_space<vmem>>, %arg24: memref<32x2xf32, #tpu.memory_space<vmem>>, %arg25: memref<1x2xf32, #tpu.memory_space<vmem>>, %arg26: memref<256x2xf32, #tpu.memory_space<vmem>>) attributes {dimension_semantics = [], scalar_prefetch = 0 : i64, scratch_operands = 0 : i64, tpu.core_type = #tpu.core_type<tc>} {
    %get3A = arith.constant 0 : index
    %get3A_0 = arith.constant 0 : index
    %get3A_1 = arith.constant 0 : index
    %get3A_2 = vector.load %arg0[%get3A, %get3A_0, %get3A_1] : memref<256x64x41xf32, #tpu.memory_space<vmem>>, vector<256x64x41xf32>
    %get3A_3 = arith.constant 0 : index
    %get3A_4 = arith.constant 0 : index
    %get3A_5 = vector.load %arg3[%get3A_3, %get3A_4] : memref<41x16xf32, #tpu.memory_space<vmem>>, vector<41x16xf32>
    %get3A_6 = arith.constant 0 : index
    %get3A_7 = arith.constant 0 : index
    %get3A_8 = vector.load %arg4[%get3A_6, %get3A_7] : memref<1x16xf32, #tpu.memory_space<vmem>>, vector<1x16xf32>
    %get3A_9 = arith.constant 0 : index
    %get3A_10 = arith.constant 0 : index
    %get3A_11 = vector.load %arg5[%get3A_9, %get3A_10] : memref<1x16xf32, #tpu.memory_space<vmem>>, vector<1x16xf32>
    %get3A_12 = arith.constant 0 : index
    %get3A_13 = arith.constant 0 : index
    %get3A_14 = vector.load %arg6[%get3A_12, %get3A_13] : memref<1x16xf32, #tpu.memory_space<vmem>>, vector<1x16xf32>
    %get3A_15 = arith.constant 0 : index
    %get3A_16 = arith.constant 0 : index
    %get3A_17 = vector.load %arg7[%get3A_15, %get3A_16] : memref<16x4xf32, #tpu.memory_space<vmem>>, vector<16x4xf32>
    %get3A_18 = arith.constant 0 : index
    %get3A_19 = arith.constant 0 : index
    %get3A_20 = vector.load %arg8[%get3A_18, %get3A_19] : memref<1x4xf32, #tpu.memory_space<vmem>>, vector<1x4xf32>
    %get3A_21 = arith.constant 0 : index
    %get3A_22 = arith.constant 0 : index
    %get3A_23 = vector.load %arg9[%get3A_21, %get3A_22] : memref<1x4xf32, #tpu.memory_space<vmem>>, vector<1x4xf32>
    %get3A_24 = arith.constant 0 : index
    %get3A_25 = arith.constant 0 : index
    %get3A_26 = vector.load %arg10[%get3A_24, %get3A_25] : memref<1x4xf32, #tpu.memory_space<vmem>>, vector<1x4xf32>
    %get3A_27 = arith.constant 0 : index
    %get3A_28 = arith.constant 0 : index
    %get3A_29 = vector.load %arg1[%get3A_27, %get3A_28] : memref<64x64xf32, #tpu.memory_space<vmem>>, vector<64x64xf32>
    %dot_general3A = arith.constant dense<0.000000e+00> : vector<64x64xf32>
    %dot_general3A_30 = tpu.matmul %get3A_29, %get3A_29, %dot_general3A {dimension_numbers = #tpu.dot_dimension_numbers<[1], [0], [0], [1], [0, 0, 1, 1], [], []>, transpose_lhs_hint = false} : vector<64x64xf32>, vector<64x64xf32>, vector<64x64xf32> -> vector<64x64xf32>
    %dot_general3A_31 = arith.constant dense<0.000000e+00> : vector<64x64xf32>
    %dot_general3A_32 = tpu.matmul %dot_general3A_30, %dot_general3A_30, %dot_general3A_31 {dimension_numbers = #tpu.dot_dimension_numbers<[1], [0], [0], [1], [0, 0, 1, 1], [], []>, transpose_lhs_hint = false} : vector<64x64xf32>, vector<64x64xf32>, vector<64x64xf32> -> vector<64x64xf32>
    %dot_general3A_33 = arith.constant dense<0.000000e+00> : vector<64x64xf32>
    %dot_general3A_34 = tpu.matmul %dot_general3A_32, %get3A_29, %dot_general3A_33 {dimension_numbers = #tpu.dot_dimension_numbers<[1], [0], [0], [1], [0, 0, 1, 1], [], []>, transpose_lhs_hint = false} : vector<64x64xf32>, vector<64x64xf32>, vector<64x64xf32> -> vector<64x64xf32>
    %broadcast_in_dim3A = vector.shape_cast %dot_general3A_34 : vector<64x64xf32> to vector<1x64x64xf32>
    %broadcast_in_dim3A_35 = vector.shape_cast %broadcast_in_dim3A : vector<1x64x64xf32> to vector<1x64x64xf32>
    %broadcast_in_dim3A_36 = vector.broadcast %broadcast_in_dim3A_35 : vector<1x64x64xf32> to vector<256x64x64xf32>
    %dot_general3A_37 = arith.constant dense<0.000000e+00> : vector<256x64x41xf32>
    %dot_general3A_38 = tpu.matmul %broadcast_in_dim3A_36, %get3A_2, %dot_general3A_37 {dimension_numbers = #tpu.dot_dimension_numbers<[2], [1], [1], [2], [0, 0, 0, 1, 1, 2], [0], [0]>, transpose_lhs_hint = false} : vector<256x64x64xf32>, vector<256x64x41xf32>, vector<256x64x41xf32> -> vector<256x64x41xf32>
    %reshape3A = vector.shape_cast %dot_general3A_38 : vector<256x64x41xf32> to vector<16384x41xf32>
    %dot_general3A_39 = arith.constant dense<0.000000e+00> : vector<16384x16xf32>
    %dot_general3A_40 = tpu.matmul %reshape3A, %get3A_5, %dot_general3A_39 {dimension_numbers = #tpu.dot_dimension_numbers<[1], [0], [0], [1], [0, 0, 1, 1], [], []>, transpose_lhs_hint = false} : vector<16384x41xf32>, vector<41x16xf32>, vector<16384x16xf32> -> vector<16384x16xf32>
    %add3A = vector.broadcast %get3A_8 : vector<1x16xf32> to vector<16384x16xf32>
    %add3A_41 = arith.addf %dot_general3A_40, %add3A : vector<16384x16xf32>
    %reduce_sum3A = arith.constant dense<0.000000e+00> : vector<16xf32>
    %reduce_sum3A_42 = vector.multi_reduction <add>, %add3A_41, %reduce_sum3A [0] : vector<16384x16xf32> to vector<16xf32>
    %broadcast_in_dim3A_43 = vector.shape_cast %reduce_sum3A_42 : vector<16xf32> to vector<1x16xf32>
    %div3A = arith.constant 1.638400e+04 : f32
    %div3A_44 = vector.broadcast %div3A : f32 to vector<1x16xf32>
    %div3A_45 = arith.divf %broadcast_in_dim3A_43, %div3A_44 : vector<1x16xf32>
    %sub3A = vector.broadcast %div3A_45 : vector<1x16xf32> to vector<16384x16xf32>
    %sub3A_46 = arith.subf %add3A_41, %sub3A : vector<16384x16xf32>
    %sub3A_47 = vector.broadcast %div3A_45 : vector<1x16xf32> to vector<16384x16xf32>
    %sub3A_48 = arith.subf %add3A_41, %sub3A_47 : vector<16384x16xf32>
    %mul3A = arith.mulf %sub3A_46, %sub3A_48 : vector<16384x16xf32>
    %reduce_sum3A_49 = arith.constant dense<0.000000e+00> : vector<16xf32>
    %reduce_sum3A_50 = vector.multi_reduction <add>, %mul3A, %reduce_sum3A_49 [0] : vector<16384x16xf32> to vector<16xf32>
    %broadcast_in_dim3A_51 = vector.shape_cast %reduce_sum3A_50 : vector<16xf32> to vector<1x16xf32>
    %div3A_52 = arith.constant 1.638400e+04 : f32
    %div3A_53 = vector.broadcast %div3A_52 : f32 to vector<1x16xf32>
    %div3A_54 = arith.divf %broadcast_in_dim3A_51, %div3A_53 : vector<1x16xf32>
    %sub3A_55 = vector.broadcast %div3A_45 : vector<1x16xf32> to vector<16384x16xf32>
    %sub3A_56 = arith.subf %add3A_41, %sub3A_55 : vector<16384x16xf32>
    %add3A_57 = arith.constant 9.99999974E-6 : f32
    %add3A_58 = vector.broadcast %add3A_57 : f32 to vector<1x16xf32>
    %add3A_59 = arith.addf %div3A_54, %add3A_58 : vector<1x16xf32>
    %sqrt3A = math.sqrt %add3A_59 : vector<1x16xf32>
    %div3A_60 = vector.broadcast %sqrt3A : vector<1x16xf32> to vector<16384x16xf32>
    %div3A_61 = arith.divf %sub3A_56, %div3A_60 : vector<16384x16xf32>
    %mul3A_62 = vector.broadcast %get3A_11 : vector<1x16xf32> to vector<16384x16xf32>
    %mul3A_63 = arith.mulf %div3A_61, %mul3A_62 : vector<16384x16xf32>
    %add3A_64 = vector.broadcast %get3A_14 : vector<1x16xf32> to vector<16384x16xf32>
    %add3A_65 = arith.addf %mul3A_63, %add3A_64 : vector<16384x16xf32>
    %reshape3A_66 = vector.shape_cast %add3A_65 : vector<16384x16xf32> to vector<256x64x16xf32>
    %broadcast_in_dim3A_67 = vector.shape_cast %dot_general3A_34 : vector<64x64xf32> to vector<1x64x64xf32>
    %broadcast_in_dim3A_68 = vector.shape_cast %broadcast_in_dim3A_67 : vector<1x64x64xf32> to vector<1x64x64xf32>
    %broadcast_in_dim3A_69 = vector.broadcast %broadcast_in_dim3A_68 : vector<1x64x64xf32> to vector<256x64x64xf32>
    %dot_general3A_70 = arith.constant dense<0.000000e+00> : vector<256x64x16xf32>
    %dot_general3A_71 = tpu.matmul %broadcast_in_dim3A_69, %reshape3A_66, %dot_general3A_70 {dimension_numbers = #tpu.dot_dimension_numbers<[2], [1], [1], [2], [0, 0, 0, 1, 1, 2], [0], [0]>, transpose_lhs_hint = false} : vector<256x64x64xf32>, vector<256x64x16xf32>, vector<256x64x16xf32> -> vector<256x64x16xf32>
    %reshape3A_72 = vector.shape_cast %dot_general3A_71 : vector<256x64x16xf32> to vector<16384x16xf32>
    %dot_general3A_73 = arith.constant dense<0.000000e+00> : vector<16384x4xf32>
    %dot_general3A_74 = tpu.matmul %reshape3A_72, %get3A_17, %dot_general3A_73 {dimension_numbers = #tpu.dot_dimension_numbers<[1], [0], [0], [1], [0, 0, 1, 1], [], []>, transpose_lhs_hint = false} : vector<16384x16xf32>, vector<16x4xf32>, vector<16384x4xf32> -> vector<16384x4xf32>
    %add3A_75 = vector.broadcast %get3A_20 : vector<1x4xf32> to vector<16384x4xf32>
    %add3A_76 = arith.addf %dot_general3A_74, %add3A_75 : vector<16384x4xf32>
    %reduce_sum3A_77 = arith.constant dense<0.000000e+00> : vector<4xf32>
    %reduce_sum3A_78 = vector.multi_reduction <add>, %add3A_76, %reduce_sum3A_77 [0] : vector<16384x4xf32> to vector<4xf32>
    %broadcast_in_dim3A_79 = vector.shape_cast %reduce_sum3A_78 : vector<4xf32> to vector<1x4xf32>
    %div3A_80 = arith.constant 1.638400e+04 : f32
    %div3A_81 = vector.broadcast %div3A_80 : f32 to vector<1x4xf32>
    %div3A_82 = arith.divf %broadcast_in_dim3A_79, %div3A_81 : vector<1x4xf32>
    %sub3A_83 = vector.broadcast %div3A_82 : vector<1x4xf32> to vector<16384x4xf32>
    %sub3A_84 = arith.subf %add3A_76, %sub3A_83 : vector<16384x4xf32>
    %sub3A_85 = vector.broadcast %div3A_82 : vector<1x4xf32> to vector<16384x4xf32>
    %sub3A_86 = arith.subf %add3A_76, %sub3A_85 : vector<16384x4xf32>
    %mul3A_87 = arith.mulf %sub3A_84, %sub3A_86 : vector<16384x4xf32>
    %reduce_sum3A_88 = arith.constant dense<0.000000e+00> : vector<4xf32>
    %reduce_sum3A_89 = vector.multi_reduction <add>, %mul3A_87, %reduce_sum3A_88 [0] : vector<16384x4xf32> to vector<4xf32>
    %broadcast_in_dim3A_90 = vector.shape_cast %reduce_sum3A_89 : vector<4xf32> to vector<1x4xf32>
    %div3A_91 = arith.constant 1.638400e+04 : f32
    %div3A_92 = vector.broadcast %div3A_91 : f32 to vector<1x4xf32>
    %div3A_93 = arith.divf %broadcast_in_dim3A_90, %div3A_92 : vector<1x4xf32>
    %sub3A_94 = vector.broadcast %div3A_82 : vector<1x4xf32> to vector<16384x4xf32>
    %sub3A_95 = arith.subf %add3A_76, %sub3A_94 : vector<16384x4xf32>
    %add3A_96 = arith.constant 9.99999974E-6 : f32
    %add3A_97 = vector.broadcast %add3A_96 : f32 to vector<1x4xf32>
    %add3A_98 = arith.addf %div3A_93, %add3A_97 : vector<1x4xf32>
    %sqrt3A_99 = math.sqrt %add3A_98 : vector<1x4xf32>
    %div3A_100 = vector.broadcast %sqrt3A_99 : vector<1x4xf32> to vector<16384x4xf32>
    %div3A_101 = arith.divf %sub3A_95, %div3A_100 : vector<16384x4xf32>
    %mul3A_102 = vector.broadcast %get3A_23 : vector<1x4xf32> to vector<16384x4xf32>
    %mul3A_103 = arith.mulf %div3A_101, %mul3A_102 : vector<16384x4xf32>
    %add3A_104 = vector.broadcast %get3A_26 : vector<1x4xf32> to vector<16384x4xf32>
    %add3A_105 = arith.addf %mul3A_103, %add3A_104 : vector<16384x4xf32>
    %reshape3A_106 = vector.shape_cast %add3A_105 : vector<16384x4xf32> to vector<256x64x4xf32>
    %reduce_sum3A_107 = arith.constant dense<0.000000e+00> : vector<256x64xf32>
    %reduce_sum3A_108 = vector.multi_reduction <add>, %reshape3A_106, %reduce_sum3A_107 [2] : vector<256x64x4xf32> to vector<256x64xf32>
    %div3A_109 = arith.constant 4.000000e+00 : f32
    %div3A_110 = vector.broadcast %div3A_109 : f32 to vector<256x64xf32>
    %div3A_111 = arith.divf %reduce_sum3A_108, %div3A_110 : vector<256x64xf32>
    %get3A_112 = arith.constant 0 : index
    %get3A_113 = arith.constant 0 : index
    %get3A_114 = vector.load %arg11[%get3A_112, %get3A_113] : memref<41x16xf32, #tpu.memory_space<vmem>>, vector<41x16xf32>
    %get3A_115 = arith.constant 0 : index
    %get3A_116 = arith.constant 0 : index
    %get3A_117 = vector.load %arg12[%get3A_115, %get3A_116] : memref<1x16xf32, #tpu.memory_space<vmem>>, vector<1x16xf32>
    %get3A_118 = arith.constant 0 : index
    %get3A_119 = arith.constant 0 : index
    %get3A_120 = vector.load %arg13[%get3A_118, %get3A_119] : memref<1x16xf32, #tpu.memory_space<vmem>>, vector<1x16xf32>
    %get3A_121 = arith.constant 0 : index
    %get3A_122 = arith.constant 0 : index
    %get3A_123 = vector.load %arg14[%get3A_121, %get3A_122] : memref<1x16xf32, #tpu.memory_space<vmem>>, vector<1x16xf32>
    %get3A_124 = arith.constant 0 : index
    %get3A_125 = arith.constant 0 : index
    %get3A_126 = vector.load %arg15[%get3A_124, %get3A_125] : memref<16x4xf32, #tpu.memory_space<vmem>>, vector<16x4xf32>
    %get3A_127 = arith.constant 0 : index
    %get3A_128 = arith.constant 0 : index
    %get3A_129 = vector.load %arg16[%get3A_127, %get3A_128] : memref<1x4xf32, #tpu.memory_space<vmem>>, vector<1x4xf32>
    %get3A_130 = arith.constant 0 : index
    %get3A_131 = arith.constant 0 : index
    %get3A_132 = vector.load %arg17[%get3A_130, %get3A_131] : memref<1x4xf32, #tpu.memory_space<vmem>>, vector<1x4xf32>
    %get3A_133 = arith.constant 0 : index
    %get3A_134 = arith.constant 0 : index
    %get3A_135 = vector.load %arg18[%get3A_133, %get3A_134] : memref<1x4xf32, #tpu.memory_space<vmem>>, vector<1x4xf32>
    %get3A_136 = arith.constant 0 : index
    %get3A_137 = arith.constant 0 : index
    %get3A_138 = vector.load %arg2[%get3A_136, %get3A_137] : memref<64x64xf32, #tpu.memory_space<vmem>>, vector<64x64xf32>
    %dot_general3A_139 = arith.constant dense<0.000000e+00> : vector<64x64xf32>
    %dot_general3A_140 = tpu.matmul %get3A_138, %get3A_138, %dot_general3A_139 {dimension_numbers = #tpu.dot_dimension_numbers<[1], [0], [0], [1], [0, 0, 1, 1], [], []>, transpose_lhs_hint = false} : vector<64x64xf32>, vector<64x64xf32>, vector<64x64xf32> -> vector<64x64xf32>
    %dot_general3A_141 = arith.constant dense<0.000000e+00> : vector<64x64xf32>
    %dot_general3A_142 = tpu.matmul %dot_general3A_140, %dot_general3A_140, %dot_general3A_141 {dimension_numbers = #tpu.dot_dimension_numbers<[1], [0], [0], [1], [0, 0, 1, 1], [], []>, transpose_lhs_hint = false} : vector<64x64xf32>, vector<64x64xf32>, vector<64x64xf32> -> vector<64x64xf32>
    %dot_general3A_143 = arith.constant dense<0.000000e+00> : vector<64x64xf32>
    %dot_general3A_144 = tpu.matmul %dot_general3A_142, %get3A_138, %dot_general3A_143 {dimension_numbers = #tpu.dot_dimension_numbers<[1], [0], [0], [1], [0, 0, 1, 1], [], []>, transpose_lhs_hint = false} : vector<64x64xf32>, vector<64x64xf32>, vector<64x64xf32> -> vector<64x64xf32>
    %broadcast_in_dim3A_145 = vector.shape_cast %dot_general3A_144 : vector<64x64xf32> to vector<1x64x64xf32>
    %broadcast_in_dim3A_146 = vector.shape_cast %broadcast_in_dim3A_145 : vector<1x64x64xf32> to vector<1x64x64xf32>
    %broadcast_in_dim3A_147 = vector.broadcast %broadcast_in_dim3A_146 : vector<1x64x64xf32> to vector<256x64x64xf32>
    %dot_general3A_148 = arith.constant dense<0.000000e+00> : vector<256x64x41xf32>
    %dot_general3A_149 = tpu.matmul %broadcast_in_dim3A_147, %get3A_2, %dot_general3A_148 {dimension_numbers = #tpu.dot_dimension_numbers<[2], [1], [1], [2], [0, 0, 0, 1, 1, 2], [0], [0]>, transpose_lhs_hint = false} : vector<256x64x64xf32>, vector<256x64x41xf32>, vector<256x64x41xf32> -> vector<256x64x41xf32>
    %reshape3A_150 = vector.shape_cast %dot_general3A_149 : vector<256x64x41xf32> to vector<16384x41xf32>
    %dot_general3A_151 = arith.constant dense<0.000000e+00> : vector<16384x16xf32>
    %dot_general3A_152 = tpu.matmul %reshape3A_150, %get3A_114, %dot_general3A_151 {dimension_numbers = #tpu.dot_dimension_numbers<[1], [0], [0], [1], [0, 0, 1, 1], [], []>, transpose_lhs_hint = false} : vector<16384x41xf32>, vector<41x16xf32>, vector<16384x16xf32> -> vector<16384x16xf32>
    %add3A_153 = vector.broadcast %get3A_117 : vector<1x16xf32> to vector<16384x16xf32>
    %add3A_154 = arith.addf %dot_general3A_152, %add3A_153 : vector<16384x16xf32>
    %reduce_sum3A_155 = arith.constant dense<0.000000e+00> : vector<16xf32>
    %reduce_sum3A_156 = vector.multi_reduction <add>, %add3A_154, %reduce_sum3A_155 [0] : vector<16384x16xf32> to vector<16xf32>
    %broadcast_in_dim3A_157 = vector.shape_cast %reduce_sum3A_156 : vector<16xf32> to vector<1x16xf32>
    %div3A_158 = arith.constant 1.638400e+04 : f32
    %div3A_159 = vector.broadcast %div3A_158 : f32 to vector<1x16xf32>
    %div3A_160 = arith.divf %broadcast_in_dim3A_157, %div3A_159 : vector<1x16xf32>
    %sub3A_161 = vector.broadcast %div3A_160 : vector<1x16xf32> to vector<16384x16xf32>
    %sub3A_162 = arith.subf %add3A_154, %sub3A_161 : vector<16384x16xf32>
    %sub3A_163 = vector.broadcast %div3A_160 : vector<1x16xf32> to vector<16384x16xf32>
    %sub3A_164 = arith.subf %add3A_154, %sub3A_163 : vector<16384x16xf32>
    %mul3A_165 = arith.mulf %sub3A_162, %sub3A_164 : vector<16384x16xf32>
    %reduce_sum3A_166 = arith.constant dense<0.000000e+00> : vector<16xf32>
    %reduce_sum3A_167 = vector.multi_reduction <add>, %mul3A_165, %reduce_sum3A_166 [0] : vector<16384x16xf32> to vector<16xf32>
    %broadcast_in_dim3A_168 = vector.shape_cast %reduce_sum3A_167 : vector<16xf32> to vector<1x16xf32>
    %div3A_169 = arith.constant 1.638400e+04 : f32
    %div3A_170 = vector.broadcast %div3A_169 : f32 to vector<1x16xf32>
    %div3A_171 = arith.divf %broadcast_in_dim3A_168, %div3A_170 : vector<1x16xf32>
    %sub3A_172 = vector.broadcast %div3A_160 : vector<1x16xf32> to vector<16384x16xf32>
    %sub3A_173 = arith.subf %add3A_154, %sub3A_172 : vector<16384x16xf32>
    %add3A_174 = arith.constant 9.99999974E-6 : f32
    %add3A_175 = vector.broadcast %add3A_174 : f32 to vector<1x16xf32>
    %add3A_176 = arith.addf %div3A_171, %add3A_175 : vector<1x16xf32>
    %sqrt3A_177 = math.sqrt %add3A_176 : vector<1x16xf32>
    %div3A_178 = vector.broadcast %sqrt3A_177 : vector<1x16xf32> to vector<16384x16xf32>
    %div3A_179 = arith.divf %sub3A_173, %div3A_178 : vector<16384x16xf32>
    %mul3A_180 = vector.broadcast %get3A_120 : vector<1x16xf32> to vector<16384x16xf32>
    %mul3A_181 = arith.mulf %div3A_179, %mul3A_180 : vector<16384x16xf32>
    %add3A_182 = vector.broadcast %get3A_123 : vector<1x16xf32> to vector<16384x16xf32>
    %add3A_183 = arith.addf %mul3A_181, %add3A_182 : vector<16384x16xf32>
    %reshape3A_184 = vector.shape_cast %add3A_183 : vector<16384x16xf32> to vector<256x64x16xf32>
    %broadcast_in_dim3A_185 = vector.shape_cast %dot_general3A_144 : vector<64x64xf32> to vector<1x64x64xf32>
    %broadcast_in_dim3A_186 = vector.shape_cast %broadcast_in_dim3A_185 : vector<1x64x64xf32> to vector<1x64x64xf32>
    %broadcast_in_dim3A_187 = vector.broadcast %broadcast_in_dim3A_186 : vector<1x64x64xf32> to vector<256x64x64xf32>
    %dot_general3A_188 = arith.constant dense<0.000000e+00> : vector<256x64x16xf32>
    %dot_general3A_189 = tpu.matmul %broadcast_in_dim3A_187, %reshape3A_184, %dot_general3A_188 {dimension_numbers = #tpu.dot_dimension_numbers<[2], [1], [1], [2], [0, 0, 0, 1, 1, 2], [0], [0]>, transpose_lhs_hint = false} : vector<256x64x64xf32>, vector<256x64x16xf32>, vector<256x64x16xf32> -> vector<256x64x16xf32>
    %reshape3A_190 = vector.shape_cast %dot_general3A_189 : vector<256x64x16xf32> to vector<16384x16xf32>
    %dot_general3A_191 = arith.constant dense<0.000000e+00> : vector<16384x4xf32>
    %dot_general3A_192 = tpu.matmul %reshape3A_190, %get3A_126, %dot_general3A_191 {dimension_numbers = #tpu.dot_dimension_numbers<[1], [0], [0], [1], [0, 0, 1, 1], [], []>, transpose_lhs_hint = false} : vector<16384x16xf32>, vector<16x4xf32>, vector<16384x4xf32> -> vector<16384x4xf32>
    %add3A_193 = vector.broadcast %get3A_129 : vector<1x4xf32> to vector<16384x4xf32>
    %add3A_194 = arith.addf %dot_general3A_192, %add3A_193 : vector<16384x4xf32>
    %reduce_sum3A_195 = arith.constant dense<0.000000e+00> : vector<4xf32>
    %reduce_sum3A_196 = vector.multi_reduction <add>, %add3A_194, %reduce_sum3A_195 [0] : vector<16384x4xf32> to vector<4xf32>
    %broadcast_in_dim3A_197 = vector.shape_cast %reduce_sum3A_196 : vector<4xf32> to vector<1x4xf32>
    %div3A_198 = arith.constant 1.638400e+04 : f32
    %div3A_199 = vector.broadcast %div3A_198 : f32 to vector<1x4xf32>
    %div3A_200 = arith.divf %broadcast_in_dim3A_197, %div3A_199 : vector<1x4xf32>
    %sub3A_201 = vector.broadcast %div3A_200 : vector<1x4xf32> to vector<16384x4xf32>
    %sub3A_202 = arith.subf %add3A_194, %sub3A_201 : vector<16384x4xf32>
    %sub3A_203 = vector.broadcast %div3A_200 : vector<1x4xf32> to vector<16384x4xf32>
    %sub3A_204 = arith.subf %add3A_194, %sub3A_203 : vector<16384x4xf32>
    %mul3A_205 = arith.mulf %sub3A_202, %sub3A_204 : vector<16384x4xf32>
    %reduce_sum3A_206 = arith.constant dense<0.000000e+00> : vector<4xf32>
    %reduce_sum3A_207 = vector.multi_reduction <add>, %mul3A_205, %reduce_sum3A_206 [0] : vector<16384x4xf32> to vector<4xf32>
    %broadcast_in_dim3A_208 = vector.shape_cast %reduce_sum3A_207 : vector<4xf32> to vector<1x4xf32>
    %div3A_209 = arith.constant 1.638400e+04 : f32
    %div3A_210 = vector.broadcast %div3A_209 : f32 to vector<1x4xf32>
    %div3A_211 = arith.divf %broadcast_in_dim3A_208, %div3A_210 : vector<1x4xf32>
    %sub3A_212 = vector.broadcast %div3A_200 : vector<1x4xf32> to vector<16384x4xf32>
    %sub3A_213 = arith.subf %add3A_194, %sub3A_212 : vector<16384x4xf32>
    %add3A_214 = arith.constant 9.99999974E-6 : f32
    %add3A_215 = vector.broadcast %add3A_214 : f32 to vector<1x4xf32>
    %add3A_216 = arith.addf %div3A_211, %add3A_215 : vector<1x4xf32>
    %sqrt3A_217 = math.sqrt %add3A_216 : vector<1x4xf32>
    %div3A_218 = vector.broadcast %sqrt3A_217 : vector<1x4xf32> to vector<16384x4xf32>
    %div3A_219 = arith.divf %sub3A_213, %div3A_218 : vector<16384x4xf32>
    %mul3A_220 = vector.broadcast %get3A_132 : vector<1x4xf32> to vector<16384x4xf32>
    %mul3A_221 = arith.mulf %div3A_219, %mul3A_220 : vector<16384x4xf32>
    %add3A_222 = vector.broadcast %get3A_135 : vector<1x4xf32> to vector<16384x4xf32>
    %add3A_223 = arith.addf %mul3A_221, %add3A_222 : vector<16384x4xf32>
    %reshape3A_224 = vector.shape_cast %add3A_223 : vector<16384x4xf32> to vector<256x64x4xf32>
    %reduce_sum3A_225 = arith.constant dense<0.000000e+00> : vector<256x64xf32>
    %reduce_sum3A_226 = vector.multi_reduction <add>, %reshape3A_224, %reduce_sum3A_225 [2] : vector<256x64x4xf32> to vector<256x64xf32>
    %div3A_227 = arith.constant 4.000000e+00 : f32
    %div3A_228 = vector.broadcast %div3A_227 : f32 to vector<256x64xf32>
    %div3A_229 = arith.divf %reduce_sum3A_226, %div3A_228 : vector<256x64xf32>
    %get3A_230 = arith.constant 0 : index
    %get3A_231 = arith.constant 0 : index
    %get3A_232 = vector.load %arg19[%get3A_230, %get3A_231] : memref<64x32xf32, #tpu.memory_space<vmem>>, vector<64x32xf32>
    %dot_general3A_233 = arith.constant dense<0.000000e+00> : vector<256x32xf32>
    %dot_general3A_234 = tpu.matmul %div3A_111, %get3A_232, %dot_general3A_233 {dimension_numbers = #tpu.dot_dimension_numbers<[1], [0], [0], [1], [0, 0, 1, 1], [], []>, transpose_lhs_hint = false} : vector<256x64xf32>, vector<64x32xf32>, vector<256x32xf32> -> vector<256x32xf32>
    %get3A_235 = arith.constant 0 : index
    %get3A_236 = arith.constant 0 : index
    %get3A_237 = vector.load %arg20[%get3A_235, %get3A_236] : memref<64x32xf32, #tpu.memory_space<vmem>>, vector<64x32xf32>
    %dot_general3A_238 = arith.constant dense<0.000000e+00> : vector<256x32xf32>
    %dot_general3A_239 = tpu.matmul %div3A_229, %get3A_237, %dot_general3A_238 {dimension_numbers = #tpu.dot_dimension_numbers<[1], [0], [0], [1], [0, 0, 1, 1], [], []>, transpose_lhs_hint = false} : vector<256x64xf32>, vector<64x32xf32>, vector<256x32xf32> -> vector<256x32xf32>
    %add3A_240 = arith.addf %dot_general3A_234, %dot_general3A_239 : vector<256x32xf32>
    %get3A_241 = arith.constant 0 : index
    %get3A_242 = arith.constant 0 : index
    %get3A_243 = vector.load %arg21[%get3A_241, %get3A_242] : memref<1x32xf32, #tpu.memory_space<vmem>>, vector<1x32xf32>
    %add3A_244 = vector.broadcast %get3A_243 : vector<1x32xf32> to vector<256x32xf32>
    %add3A_245 = arith.addf %add3A_240, %add3A_244 : vector<256x32xf32>
    %get3A_246 = arith.constant 0 : index
    %get3A_247 = arith.constant 0 : index
    %get3A_248 = vector.load %arg22[%get3A_246, %get3A_247] : memref<1x32xf32, #tpu.memory_space<vmem>>, vector<1x32xf32>
    %get3A_249 = arith.constant 0 : index
    %get3A_250 = arith.constant 0 : index
    %get3A_251 = vector.load %arg23[%get3A_249, %get3A_250] : memref<1x32xf32, #tpu.memory_space<vmem>>, vector<1x32xf32>
    %reduce_sum3A_252 = arith.constant dense<0.000000e+00> : vector<32xf32>
    %reduce_sum3A_253 = vector.multi_reduction <add>, %add3A_245, %reduce_sum3A_252 [0] : vector<256x32xf32> to vector<32xf32>
    %broadcast_in_dim3A_254 = vector.shape_cast %reduce_sum3A_253 : vector<32xf32> to vector<1x32xf32>
    %div3A_255 = arith.constant 2.560000e+02 : f32
    %div3A_256 = vector.broadcast %div3A_255 : f32 to vector<1x32xf32>
    %div3A_257 = arith.divf %broadcast_in_dim3A_254, %div3A_256 : vector<1x32xf32>
    %sub3A_258 = vector.broadcast %div3A_257 : vector<1x32xf32> to vector<256x32xf32>
    %sub3A_259 = arith.subf %add3A_245, %sub3A_258 : vector<256x32xf32>
    %sub3A_260 = vector.broadcast %div3A_257 : vector<1x32xf32> to vector<256x32xf32>
    %sub3A_261 = arith.subf %add3A_245, %sub3A_260 : vector<256x32xf32>
    %mul3A_262 = arith.mulf %sub3A_259, %sub3A_261 : vector<256x32xf32>
    %reduce_sum3A_263 = arith.constant dense<0.000000e+00> : vector<32xf32>
    %reduce_sum3A_264 = vector.multi_reduction <add>, %mul3A_262, %reduce_sum3A_263 [0] : vector<256x32xf32> to vector<32xf32>
    %broadcast_in_dim3A_265 = vector.shape_cast %reduce_sum3A_264 : vector<32xf32> to vector<1x32xf32>
    %div3A_266 = arith.constant 2.560000e+02 : f32
    %div3A_267 = vector.broadcast %div3A_266 : f32 to vector<1x32xf32>
    %div3A_268 = arith.divf %broadcast_in_dim3A_265, %div3A_267 : vector<1x32xf32>
    %sub3A_269 = vector.broadcast %div3A_257 : vector<1x32xf32> to vector<256x32xf32>
    %sub3A_270 = arith.subf %add3A_245, %sub3A_269 : vector<256x32xf32>
    %add3A_271 = arith.constant 9.99999974E-6 : f32
    %add3A_272 = vector.broadcast %add3A_271 : f32 to vector<1x32xf32>
    %add3A_273 = arith.addf %div3A_268, %add3A_272 : vector<1x32xf32>
    %sqrt3A_274 = math.sqrt %add3A_273 : vector<1x32xf32>
    %div3A_275 = vector.broadcast %sqrt3A_274 : vector<1x32xf32> to vector<256x32xf32>
    %div3A_276 = arith.divf %sub3A_270, %div3A_275 : vector<256x32xf32>
    %mul3A_277 = vector.broadcast %get3A_248 : vector<1x32xf32> to vector<256x32xf32>
    %mul3A_278 = arith.mulf %div3A_276, %mul3A_277 : vector<256x32xf32>
    %add3A_279 = vector.broadcast %get3A_251 : vector<1x32xf32> to vector<256x32xf32>
    %add3A_280 = arith.addf %mul3A_278, %add3A_279 : vector<256x32xf32>
    %get3A_281 = arith.constant 0 : index
    %get3A_282 = arith.constant 0 : index
    %get3A_283 = vector.load %arg24[%get3A_281, %get3A_282] : memref<32x2xf32, #tpu.memory_space<vmem>>, vector<32x2xf32>
    %dot_general3A_284 = arith.constant dense<0.000000e+00> : vector<256x2xf32>
    %dot_general3A_285 = tpu.matmul %add3A_280, %get3A_283, %dot_general3A_284 {dimension_numbers = #tpu.dot_dimension_numbers<[1], [0], [0], [1], [0, 0, 1, 1], [], []>, transpose_lhs_hint = false} : vector<256x32xf32>, vector<32x2xf32>, vector<256x2xf32> -> vector<256x2xf32>
    %get3A_286 = arith.constant 0 : index
    %get3A_287 = arith.constant 0 : index
    %get3A_288 = vector.load %arg25[%get3A_286, %get3A_287] : memref<1x2xf32, #tpu.memory_space<vmem>>, vector<1x2xf32>
    %add3A_289 = vector.broadcast %get3A_288 : vector<1x2xf32> to vector<256x2xf32>
    %add3A_290 = arith.addf %dot_general3A_285, %add3A_289 : vector<256x2xf32>
    %reduce_max3A = arith.constant dense<0xFF800000> : vector<256xf32>
    %reduce_max3A_291 = vector.multi_reduction <maximumf>, %add3A_290, %reduce_max3A [1] : vector<256x2xf32> to vector<256xf32>
    %broadcast_in_dim3A_292 = vector.shape_cast %reduce_max3A_291 : vector<256xf32> to vector<256x1xf32>
    %sub3A_293 = vector.broadcast %broadcast_in_dim3A_292 : vector<256x1xf32> to vector<256x2xf32>
    %sub3A_294 = arith.subf %add3A_290, %sub3A_293 : vector<256x2xf32>
    %exp3A = math.exp %sub3A_294 : vector<256x2xf32>
    %reduce_sum3A_295 = arith.constant dense<0.000000e+00> : vector<256xf32>
    %reduce_sum3A_296 = vector.multi_reduction <add>, %exp3A, %reduce_sum3A_295 [1] : vector<256x2xf32> to vector<256xf32>
    %broadcast_in_dim3A_297 = vector.shape_cast %reduce_sum3A_296 : vector<256xf32> to vector<256x1xf32>
    %log3A = math.log %broadcast_in_dim3A_297 : vector<256x1xf32>
    %sub3A_298 = vector.broadcast %log3A : vector<256x1xf32> to vector<256x2xf32>
    %sub3A_299 = arith.subf %sub3A_294, %sub3A_298 : vector<256x2xf32>
    %swap3A = arith.constant 0 : index
    %swap3A_300 = arith.constant 0 : index
    %swap3A_301 = vector.load %arg26[%swap3A, %swap3A_300] : memref<256x2xf32, #tpu.memory_space<vmem>>, vector<256x2xf32>
    tpu.vector_store %arg26[%swap3A, %swap3A_300], %sub3A_299 {strides = array<i32>} : memref<256x2xf32, #tpu.memory_space<vmem>>, vector<256x2xf32>,
    return
  }
}

</mosaic_0001>

<sc_bundles>
// kernel: kernel.5.cloned.1.call-start
scs
__scs_entry_jumppad:
0x0: {  	(pc) =	sbr.rel $0x88, $3  }
0x1: {  	(tag) =	ssettag $0x0;
	lr =	simm.s32 $0x1  }
0x2: {  	[smem:$0x3F83] =	sst lr;
	_ =	strace $0xD0000000  }
0x3: {  	_ = 	snop  }
0x4: {  	_ = 	snop  }
0x5: {  	_ = 	snop  }
0x6: {  	_ = 	snop  }
0x7: {  	_ = 	snop  }
__scs_overlays_trampoline_lowered:
0x8: {  	[smem:$0x3F92] =	sst s0  }
0x9: {  	[smem:$0x3F93] =	sst s1  }
0xa: {  	[smem:$0x3F94] =	sst s2  }
0xb: {  	[smem:$0x3F95] =	sst s3  }
0xc: {  	[smem:$0x3F96] =	sst s4  }
0xd: {  	[smem:$0x3F97] =	sst s5  }
0xe: {  	[smem:$0x3F98] =	sst s6  }
0xf: {  	[smem:$0x3F99] =	sst s7  }
0x10: {  	[smem:$0x3F9A] =	sst s8  }
0x11: {  	[smem:$0x3F9B] =	sst s9;
	s0 =	simm.s32 @!p0 $0x0  }
0x12: {  	s1 =	sld [smem:$0x3F81];
	s0 =	simm.s32 @p0 $0x1  }
0x13: {  	[smem:$0x3F9C] =	sst s0;
	s0 =	simm.s32 @!p1 $0x0  }
0x14: {  	s2 =	sld [smem:$0x3F80];
	s0 =	simm.s32 @p1 $0x1  }
0x15: {  	[smem:$0x3F9D] =	sst s0;
	s0 =	simm.s32 @!p2 $0x0  }
0x16: {  	s3 =	sld [smem:$0x3FDB];
	s0 =	simm.s32 @p2 $0x1  }
0x17: {  	s4 =	simm.s32 $0x1BF5;
	[smem:$0x3F9F] =	sst s0  }
0x18: {  	s0 =	sld [smem:$0x3F82];
	_ =	swait.ge [sflag:s4], $0x0  }
0x19: {  	s7 =	sld [smem:$0x3F83]  }
0x1a: {  	s8 =	sadd.s32 $0xFFFFE003, lr  }
0x1b: {  	s9 =	sadd.s32 $0xFFFFFEF7, lr;
	s5 =	simm.s32 $0xFFFFFFFF;
	p2 =	slt.u32 s8, $0xFFFFF086  }
0x1c: {  	p1 =	slt.u32 s9, $0xF7A;
	s5 =	simm.s32 @!p2 $0x0  }
0x1d: {  	s5 =	simm.s32 @p1 $0x1;
	p0 =	seq.s32 s7, s2  }
0x1e: {  	s7 =	smul.u32 @!p0 $0xF7A, s2;
	p2 =	seq.s32 @!p0 s5, $0x0  }
0x1f: {  	s9 =	smul.u32 $0xF7A, s1;
	s8 =	simm.s32 @!p0 $0x1BF5;
	p2 =	por !p2, p0  }
0x20: {  	[sflag:s8] =	ssyncset.s32 @!p0 $0xFFFFF086;
	s6 =	sadd.s32 @!p0 s3, s7;
	s7 =	simm.s32 @!p0 $0x108  }
0x21: {  	s3 =	sadd.s32 s3, s9;
	s6 =	sadd.s32 @!p0 $0x88, s6;
	s7 =	simm.s32 @p2 $0x1082  }
0x22: {  	[simem:s7], [sflag:s8] =	dma.local @!p0 [hbm:s6], $0xF7A  }
0x23: {  	s9 =	sor.u32 $0xD0000000, s2;
	s6 =	simm.s32 $0x108;
	_ =	swait.ge @!p0 [sflag:s8], $0x0  }
0x24: {  	s3 =	sadd.s32 $0x88, s3;
	s6 =	simm.s32 @!p1 $0x1082;
	[sflag:s4] =	ssyncset.s32 $0xFFFFF086  }
0x25: {  	[simem:s6], [sflag:s4] =	dma.local [hbm:s3], $0xF7A  }
0x26: {  	[smem:$0x3F83] =	sst s1;
	(tag) =	ssettag s2;
	_ =	strace s9  }
0x27: {  	s1 =	sld [smem:$0x3F93]  }
0x28: {  	s2 =	sld [smem:$0x3F94]  }
0x29: {  	s4 =	sld [smem:$0x3F96]  }
0x2a: {  	p0 =	seq.s32 s5, $0x0;
	s5 =	sld [smem:$0x3F97]  }
0x2b: {  	s6 =	sld [smem:$0x3F98]  }
0x2c: {  	s7 =	sld [smem:$0x3F99]  }
0x2d: {  	s3 =	simm.s32 $0x108;
	s8 =	sld [smem:$0x3F9A]  }
0x2e: {  	s3 =	simm.s32 @!p0 $0x1082;
	s9 =	sld [smem:$0x3F9B]  }
0x2f: {  	lr =	sadd.s32 s0, s3;
	s0 =	sld [smem:$0x3F92]  }
0x30: {  	s3 =	sld [smem:$0x3F95]  }
0x31: {  	[smem:$0x3F9E] =	sst s10  }
0x32: {  	s10 =	sld [smem:$0x3F9C];
	_ =	sdelay $0x3  }
0x33: {  	p0 =	seq.s32 s10, $0x1;
	s10 =	sld [smem:$0x3F9E];
	_ =	sdelay $0x3  }
0x34: {  	[smem:$0x3F9E] =	sst s10  }
0x35: {  	s10 =	sld [smem:$0x3F9D];
	_ =	sdelay $0x3  }
0x36: {  	p1 =	seq.s32 s10, $0x1;
	s10 =	sld [smem:$0x3F9E];
	_ =	sdelay $0x3  }
0x37: {  	[smem:$0x3F9E] =	sst s10  }
0x38: {  	s10 =	sld [smem:$0x3F9F]  }
0x39: {  	_ = 	snop;
	(pc) =	sbr.ind lr, $3  }
0x3a: {  	_ = 	snop  }
0x3b: {  	_ = 	snop  }
0x3c: {  	p2 =	seq.s32 s10, $0x1;
	s10 =	sld [smem:$0x3F9E]  }
0x3d: {  	_ =	shalt  }
0x3e: {  	_ =	shalt  }
0x3f: {  	_ =	shalt  }
0x40: {  	_ =	shalt  }
0x41: {  	_ =	shalt  }
0x42: {  	_ =	shalt  }
0x43: {  	_ =	shalt  }
0x44: {  	_ =	shalt  }
0x45: {  	_ =	shalt  }
0x46: {  	_ =	shalt  }
0x47: {  	_ =	shalt  }
0x48: {  	_ =	shalt  }
0x49: {  	_ =	shalt  }
0x4a: {  	_ =	shalt  }
0x4b: {  	_ =	shalt  }
0x4c: {  	_ =	shalt  }
0x4d: {  	_ =	shalt  }
0x4e: {  	_ =	shalt  }
0x4f: {  	_ =	shalt  }
0x50: {  	_ =	shalt  }
0x51: {  	_ =	shalt  }
0x52: {  	_ =	shalt  }
0x53: {  	_ =	shalt  }
0x54: {  	_ =	shalt  }
0x55: {  	_ =	shalt  }
0x56: {  	_ =	shalt  }
0x57: {  	_ =	shalt  }
0x58: {  	_ =	shalt  }
0x59: {  	_ =	shalt  }
0x5a: {  	_ =	shalt  }
0x5b: {  	_ =	shalt  }
0x5c: {  	_ =	shalt  }
0x5d: {  	_ =	shalt  }
0x5e: {  	_ =	shalt  }
0x5f: {  	_ =	shalt  }
0x60: {  	_ =	shalt  }
0x61: {  	_ =	shalt  }
0x62: {  	_ =	shalt  }
0x63: {  	_ =	shalt  }
0x64: {  	_ =	shalt  }
0x65: {  	_ =	shalt  }
0x66: {  	_ =	shalt  }
0x67: {  	_ =	shalt  }
0x68: {  	_ =	shalt  }
0x69: {  	_ =	shalt  }
0x6a: {  	_ =	shalt  }
0x6b: {  	_ =	shalt  }
0x6c: {  	_ =	shalt  }
0x6d: {  	_ =	shalt  }
0x6e: {  	_ =	shalt  }
0x6f: {  	_ =	shalt  }
0x70: {  	_ =	shalt  }
0x71: {  	_ =	shalt  }
0x72: {  	_ =	shalt  }
0x73: {  	_ =	shalt  }
0x74: {  	_ =	shalt  }
0x75: {  	_ =	shalt  }
0x76: {  	_ =	shalt  }
0x77: {  	_ =	shalt  }
0x78: {  	_ =	shalt  }
0x79: {  	_ =	shalt  }
0x7a: {  	_ =	shalt  }
0x7b: {  	_ =	shalt  }
0x7c: {  	_ =	shalt  }
0x7d: {  	_ =	shalt  }
0x7e: {  	_ =	shalt  }
0x7f: {  	_ =	shalt  }
0x80: {  	_ =	shalt  }
0x81: {  	_ =	shalt  }
0x82: {  	_ =	shalt  }
0x83: {  	_ =	shalt  }
0x84: {  	_ =	shalt  }
0x85: {  	_ =	shalt  }
0x86: {  	_ =	shalt  }
0x87: {  	_ =	shalt  }
.Lfunc_end0:
.L_simem_size_0:
called_computation_lowered:
.L_overlay_start_0:
0x88: {  	s2 =	sld [smem:$0x3FD9]  }
0x89: {  	s3 =	sld [smem:$0x3FFE];
	_ =	sdelay $0x1  }
0x8a: {  	s1 =	srdreg.scid  }
0x8b: {  	s0 =	sand.u32 $0x1, s1  }
0x8c: {  	s16 =	sshll.u32 s0, $0xA;
	s2 =	sadd.s32 s3, s2  }
0x8d: {  	s2 =	sadd.s32 s2, s16  }
0x8e: {  	[smem:$0x3FAA] =	sst s2  }
0x8f: {  	_ = 	snop  }
0x90: {  	(tm) =	ssettm $0x1  }
0x91: {  	s17 =	sld [smem:$0x3FFB];
	_ =	sdelay $0x3  }
0x92: {  	_ =	strace s17  }
0x93: {  	s2 =	sld [smem:$0x3FFC];
	_ =	sdelay $0x3  }
0x94: {  	_ =	strace s2  }
0x95: {  	s2 =	sld [smem:$0x3FFD];
	_ =	sdelay $0x3  }
0x96: {  	_ =	strace s2  }
0x97: {  	_ =	strace $0x8FFFFFFF  }
0x98: {  	s18 =	sld [smem:$0x3FDB];
	_ =	sdelay $0x1  }
0x99: {  	s19 =	simm.s32 $_scs_section_size  }
0x9a: {  	s4 =	simm.s32 $_size__tile_overlayer_lowered;
	s5 =	simm.s32 $_tile_overlayer_lowered  }
0x9b: {  	s22 =	simm.s32 $0x1BFF;
	s21 =	sshll.u32 s5, $0x1;
	s2 =	sadd.s32 s19, s18  }
0x9c: {  	s6 =	simm.s32 $0x0;
	s20 =	sshll.u32 s4, $0x1;
	s4 =	sadd.s32 s21, s2  }
0x9d: {  	[timem:s6], [sflag:s22] =	dma.local [hbm:s4], s20  }
0x9e: {  	_ =	swait.ge [sflag:s22], s20  }
0x9f: {  	s3 =	ssub.s32 $0x0, s20;
	[sflag:s22] =	ssyncset.done $0x0  }
0xa0: {  	[sflag:s22] =	ssyncadd.s32 s3;
	_ =	sdelay $0x1  }
0xa1: {  	s23 =	simm.s32 $0x1B8B  }
0xa2: {  	_ =	swait.ge [sflag:s23], $0x1  }
0xa3: {  	[sflag:s23] =	ssyncset.done $0x0  }
0xa4: {  	s25 =	simm.s32 $0x1B8E;
	s24 =	sld [smem:$0x3FFE];
	[sflag:s23] =	ssyncadd.s32 $0xFFFFFFFF  }
0xa5: {  	s26 =	simm.s32 $execute0_lowered;
	[smem:$0x3FD2] =	sst s25  }
0xa6: {  	s4 =	sshll.u32 s26, $0x1;
	_ =	strace $0x80000046;
	[dreg:$0x1] =	wrdreg $0xFFFFFFFF  }
0xa7: {  	s28 =	simm.s32 $_size_execute0_lowered;
	s2 =	sadd.s32 s2, s4;
	[dreg:$0x0] =	wrdreg $0x0  }
0xa8: {  	s4 =	sshll.u32 s28, $0x1;
	[dreg:$0x2] =	wrdreg s2  }
0xa9: {  	[dreg:$0x3] =	wrdreg s4  }
0xaa: {  	[dreg:$0x4] =	wrdreg $0xC0  }
0xab: {  	_ =	task [dreg:s6], $0x5FFFF  }
0xac: {  	[dreg:$0x1] =	wrdreg $0xFFFFFFFF  }
0xad: {  	[dreg:$0x0] =	wrdreg $0x60  }
0xae: {  	[dreg:$0x2] =	wrdreg s24  }
0xaf: {  	[dreg:$0x3] =	wrdreg $0x9  }
0xb0: {  	_ =	task.clear_ibuf [dreg:s6], $0x4FFFF;
	_ =	strace $0x90000046  }
0xb1: {  	s29 =	simm.s32 $0x9;
	_ =	strace $0x80000048  }
0xb2: {  	_ =	swait.ge [sflag:s29], $0x1  }
0xb3: {  	[sflag:s29] =	ssyncadd.s32 $0xFFFFFFFF  }
0xb4: {  	_ =	strace $0x90000048  }
0xb5: {  	_ =	sfence  }
0xb6: {  	s30 =	sld [smem:$0x0];
	_ =	sdelay $0x2  }
0xb7: {  	s31 =	sshll.u32 s1, $0xD;
	s1 =	sshrl.u32 s1, $0x2  }
0xb8: {  	s3 =	sand.u32 $0x4000, s31;
	s1 =	sadd.s32 s1, s30  }
0xb9: {  	s0 =	sor.u32 s3, s0;
	s1 =	sshll.u32 s1, $0x11  }
0xba: {  	s0 =	sor.u32 s1, s0  }
0xbb: {  	s0 =	sadd.s32 $0x8F2B, s0  }
0xbc: {  	[sflag:s0] =	ssyncadd.remote.s32 $0x1  }
0xbd: {  	_ =	sfence.sel $0xFFFF  }
0xbe: {  	[dreg:$0x0] =	wrdreg $0xFFFFFFFF;
	(pc) =	sbr.abs _section_cstart, $3  }
0xbf: {  	[dreg:$0x1] =	wrdreg $0xFFFFFFFF  }
0xc0: {  	_ =	task.clear_ibuf [dreg:s6], $0x2FFFF;
	_ =	strace $0x9FFFFFFF  }
0xc1: {  	(tm) =	ssettm $0x7FFFFFFF  }
tec
execute0_lowered:
.L_overlay_start_1:
0x0: {  	(tag) =	ssettag $0x1  }
0x1: {  	s0 =	srdreg.scid  }
0x2: {  	s8 =	sand.u32 $0x1, s0;
	s0 =	stileid.u32  }
0x3: {  	s2 =	sor.u32 s0, s8  }
0x4: {  	p0 =	sne.s32 s2, $0x0  }
.Ltmp0:
0x5: {  	_ = 	snop;
	(pc) =	sbr.rel @p0 .LBB2_17-.Ltmp0, $3  }
0x6: {  	_ =	sdelay $0x1  }
0x7: {  	s9 =	rddreg [dreg:$0x0]  }
0x8: {  	s1 =	rddreg [dreg:$0x1];
	_ =	strace $0x80000047  }
0x9: {  	s2 =	sadd.s32 $0x4E00, s9  }
0xa: {  	s3 =	sadd.s32 $0x4A00, s9;
	s4 =	sadd.s32 $0x4000, s9;
	s5 =	sadd.s32 $0x4400, s9  }
0xb: {  	s6 =	sadd.s32 $0x5200, s9;
	s7 =	sadd.s32 $0x4600, s9;
	s10 =	ssub.s32 $0x2, s8  }
0xc: {  	s8 =	sadd.s32 $0x5600, s9;
	s9 =	sadd.s32 $0x5800, s9;
	s12 =	simm.s32 $0x1  }
0xd: {  	s13 =	simm.s32 $0x1080;
	s14 =	simm.s32 $0x2100;
	s15 =	simm.s32 $0x4200  }
0xe: {  	s16 =	simm.s32 $0x4A80;
	s17 =	simm.s32 $0x5B00;
	s18 =	simm.s32 $0x6B80  }
0xf: {  	s19 =	simm.s32 $0x6C00;
	s20 =	simm.s32 $0x6C80;
	s11 =	sshrl.u32 s10, $0x1  }
0x10: {  	v0 =	vimm.f32 $0.0e+00;
	s21 =	simm.s32 $0x0;
	s10 =	ssub.s32 s10, s11;
	s11 =	simm.s32 $0x0  }
.LBB2_2:
0x11: {  	[tilespmem:s11], [sflag:$0x1] =	stream.linear.gather [hbm4b:s2+s11], $0x1080, $0x38;
	[tilespmem:$0x7C80] =	vst v63  }
0x12: {  	_ =	swait.ge [sflag:s12], $0x1080  }
0x13: {  	[sflag:s12] =	ssyncset.done $0x0  }
0x14: {  	[sflag:s12] =	ssyncadd.s32 $0xFFFFEF80  }
0x15: {  	[tilespmem:s13], [sflag:$0x1] =	stream.linear.gather [hbm4b:s3+s11], $0x1080, $0x38;
	[tilespmem:$0x7C80] =	vst v63  }
0x16: {  	_ =	swait.ge [sflag:s12], $0x1080  }
0x17: {  	[sflag:s12] =	ssyncset.done $0x0  }
0x18: {  	[sflag:s12] =	ssyncadd.s32 $0xFFFFEF80  }
0x19: {  	[tilespmem:s14], [sflag:$0x1] =	stream.linear.gather [hbm4b:s4+s11], $0x1080, $0x38;
	[tilespmem:$0x7C80] =	vst v63  }
0x1a: {  	_ =	swait.ge [sflag:s12], $0x1080  }
0x1b: {  	[sflag:s12] =	ssyncset.done $0x0  }
0x1c: {  	[sflag:s12] =	ssyncadd.s32 $0xFFFFEF80  }
0x1d: {  	[tilespmem:s15], [sflag:$0x1] =	stream.linear.gather [hbm4b:s5+s11], $0x880, $0x38;
	[tilespmem:$0x7C80] =	vst v63  }
0x1e: {  	_ =	swait.ge [sflag:s12], $0x880  }
0x1f: {  	[sflag:s12] =	ssyncset.done $0x0  }
0x20: {  	[sflag:s12] =	ssyncadd.s32 $0xFFFFF780  }
0x21: {  	[tilespmem:s16], [sflag:$0x1] =	stream.linear.gather [hbm4b:s6+s11], $0x1080, $0x38;
	[tilespmem:$0x7C80] =	vst v63  }
0x22: {  	_ =	swait.ge [sflag:s12], $0x1080  }
0x23: {  	[sflag:s12] =	ssyncset.done $0x0  }
0x24: {  	[sflag:s12] =	ssyncadd.s32 $0xFFFFEF80  }
0x25: {  	[tilespmem:s17], [sflag:$0x1] =	stream.linear.gather [hbm4b:s7+s11], $0x1080, $0x38;
	[tilespmem:$0x7C80] =	vst v63  }
0x26: {  	_ =	swait.ge [sflag:s12], $0x1080  }
0x27: {  	[sflag:s12] =	ssyncset.done $0x0  }
0x28: {  	s22 =	simm.s32 $0x0;
	[sflag:s12] =	ssyncadd.s32 $0xFFFFEF80  }
0x29: {  	v2 =	vld [tilespmem:s22+$0x4A80];
	_ =	sdelay $0x6  }
0x2a: {  	v1 =	vld [tilespmem:s22+$0x5B00]  }
0x2b: {  	s23 =	simm.s32 $0x10;
	s24 =	simm.s32 $0x80;
	v2 =	vld.idx.msk [tilespmem:v2+s15+$0x0], $0xffff  }
.LBB2_3:
0x2c: {  	p0 =	sne.s32 s24, $0x40C0;
	v3 =	vld [tilespmem:s23+$0x4A80];
	_ =	sdelay $0x3  }
.Ltmp1:
0x2d: {  	(pc) =	sbr.rel @p0 .LBB2_3-.Ltmp1, $3  }
0x2e: {  	v2 =	vmul.f32 v1, v2;
	_ =	sdelay $0x1  }
0x2f: {  	v1 =	vld [tilespmem:s23+$0x5B00];
	[tilespmem:s22+$0x3180] =	vst v2;
	s22 =	smov.u32 s23  }
0x30: {  	s23 =	sshra.s32 s24, $0x2;
	s24 =	sadd.s32 $0x40, s24;
	v2 =	vld.idx.msk [tilespmem:v3+s15+$0x0], $0xffff  }
0x31: {  	v3 =	vld [tilespmem:s23+$0x4A80];
	_ =	sdelay $0x4  }
0x32: {  	v1 =	vmul.f32 v1, v2;
	_ =	sdelay $0x1  }
0x33: {  	v2 =	vld [tilespmem:s23+$0x5B00];
	[tilespmem:s22+$0x3180] =	vst v1  }
0x34: {  	v1 =	vld.idx.msk [tilespmem:v3+s15+$0x0], $0xffff;
	_ =	sdelay $0x4  }
0x35: {  	v1 =	vmul.f32 v2, v1;
	_ =	sdelay $0x1  }
0x36: {  	[tilespmem:s23+$0x3180] =	vst v1  }
0x37: {  	[tilespmem:$0x6B80] =	vst v0  }
0x38: {  	[tilespmem:$0x6B90] =	vst v0  }
0x39: {  	[tilespmem:$0x6BA0] =	vst v0  }
0x3a: {  	s22 =	simm.s32 $0x40;
	s23 =	simm.s32 $0x0;
	[tilespmem:$0x6BB0] =	vst v0  }
.LBB2_5:
0x3b: {  	p0 =	sne.s32 s22, $0x3FC0;
	[tilespmem:s23+$0x6C80] =	vst v0;
	s23 =	smov.u32 s22;
	s22 =	sadd.s32 $0x40, s22  }
.Ltmp2:
0x3c: {  	(pc) =	sbr.rel @p0 .LBB2_5-.Ltmp2, $2  }
0x3d: {  	_ =	sdelay $0x2  }
0x3e: {  	s23 =	sshra.s32 s23, $0x2  }
0x3f: {  	[tilespmem:s23+$0x6C80] =	vst v0;
	s23 =	simm.s32 $0x0;
	s22 =	simm.s32 $0x40  }
.LBB2_7:
0x40: {  	p0 =	sne.s32 s22, $0x40C0;
	v1 =	vld [tilespmem:s23+$0x1080];
	_ =	sdelay $0x1  }
0x41: {  	v2 =	vld [tilespmem:s23+$0x2100];
	_ =	sdelay $0x1  }
.Ltmp3:
0x42: {  	(pc) =	sbr.rel @p0 .LBB2_7-.Ltmp3, $3  }
0x43: {  	_ =	sdelay $0x1  }
0x44: {  	v2 =	vand.u32 $0x7FFFFFFF, v2  }
0x45: {  	s23 =	sshra.s32 s22, $0x2;
	s22 =	sadd.s32 $0x40, s22;
	[tilespmem:v1+s18+$0x0] =	vst.idx.add.f32.msk $0xffff, v2  }
0x46: {  	v1 =	vld [tilespmem:s23+$0x1080];
	_ =	sdelay $0x1  }
0x47: {  	v2 =	vld [tilespmem:s23+$0x2100];
	_ =	sdelay $0x4  }
0x48: {  	v2 =	vand.u32 $0x7FFFFFFF, v2  }
0x49: {  	[tilespmem:v1+s18+$0x0] =	vst.idx.add.f32.msk $0xffff, v2  }
0x4a: {  	v1 =	vld [tilespmem:$0x6B80]  }
0x4b: {  	v2 =	vld [tilespmem:$0x6B90]  }
0x4c: {  	v3 =	vld [tilespmem:$0x6BA0]  }
0x4d: {  	v5 =	vld [tilespmem:$0x6BB0];
	_ =	sdelay $0x3  }
0x4e: {  	v4 =	vmax.f32 v1, $9.999999960e-13;
	v7 =	vmax.f32 v2, $9.999999960e-13  }
0x4f: {  	v11 =	vmax.f32 v3, $9.999999960e-13;
	v13 =	vmax.f32 v5, $9.999999960e-13;
	v6 =	vshra.s32 v4, $0x1  }
0x50: {  	v4 =	vmul.f32 $5.000000000e-01, v4;
	v8 =	vshra.s32 v7, $0x1;
	v7 =	vmul.f32 $5.000000000e-01, v7  }
0x51: {  	v12 =	vshra.s32 v11, $0x1;
	v11 =	vmul.f32 $5.000000000e-01, v11;
	v6 =	vsub.s32 $0x5F3759DF, v6  }
0x52: {  	v14 =	vshra.s32 v13, $0x1;
	v8 =	vsub.s32 $0x5F3759DF, v8;
	v9 =	vmul.f32 v6, v4  }
0x53: {  	v13 =	vmul.f32 $5.000000000e-01, v13;
	v12 =	vsub.s32 $0x5F3759DF, v12;
	v10 =	vmul.f32 v8, v7  }
0x54: {  	v14 =	vsub.s32 $0x5F3759DF, v14;
	v15 =	vmul.f32 v12, v11;
	v9 =	vmul.f32 v6, v9  }
0x55: {  	v16 =	vmul.f32 v14, v13;
	v10 =	vmul.f32 v8, v10  }
0x56: {  	v15 =	vmul.f32 v12, v15;
	v9 =	vsub.f32 $1.500000000e+00, v9  }
0x57: {  	v16 =	vmul.f32 v14, v16;
	v10 =	vsub.f32 $1.500000000e+00, v10  }
0x58: {  	v45 =	vsub.f32 $1.500000000e+00, v15;
	v6 =	vmul.f32 v6, v9  }
0x59: {  	v46 =	vsub.f32 $1.500000000e+00, v16;
	v8 =	vmul.f32 v8, v10  }
0x5a: {  	v9 =	vmul.f32 v12, v45;
	v47 =	vmul.f32 v6, v4  }
0x5b: {  	v10 =	vmul.f32 v14, v46;
	v48 =	vmul.f32 v8, v7  }
0x5c: {  	v50 =	vmul.f32 v9, v11;
	v49 =	vmul.f32 v47, v6  }
0x5d: {  	v51 =	vmul.f32 v10, v13;
	v12 =	vmul.f32 v48, v8  }
0x5e: {  	v15 =	vmul.f32 v50, v9;
	v14 =	vsub.f32 $1.500000000e+00, v49  }
0x5f: {  	v16 =	vmul.f32 v51, v10;
	v12 =	vsub.f32 $1.500000000e+00, v12  }
0x60: {  	v52 =	vsub.f32 $1.500000000e+00, v15;
	v6 =	vmul.f32 v14, v6  }
0x61: {  	v53 =	vsub.f32 $1.500000000e+00, v16;
	v8 =	vmul.f32 v12, v8  }
0x62: {  	v9 =	vmul.f32 v52, v9;
	v54 =	vmul.f32 v6, v4  }
0x63: {  	v10 =	vmul.f32 v53, v10;
	v55 =	vmul.f32 v8, v7  }
0x64: {  	v57 =	vmul.f32 v9, v11;
	v56 =	vmul.f32 v54, v6  }
0x65: {  	v58 =	vmul.f32 v10, v13;
	v14 =	vmul.f32 v55, v8  }
0x66: {  	v15 =	vmul.f32 v57, v9;
	v12 =	vsub.f32 $1.500000000e+00, v56  }
0x67: {  	v16 =	vmul.f32 v58, v10;
	v14 =	vsub.f32 $1.500000000e+00, v14  }
0x68: {  	v59 =	vsub.f32 $1.500000000e+00, v15;
	v6 =	vmul.f32 v12, v6  }
0x69: {  	v60 =	vsub.f32 $1.500000000e+00, v16;
	v8 =	vmul.f32 v14, v8  }
0x6a: {  	v9 =	vmul.f32 v59, v9;
	v4 =	vmul.f32 v6, v4  }
0x6b: {  	v10 =	vmul.f32 v60, v10;
	v7 =	vmul.f32 v8, v7  }
0x6c: {  	v11 =	vmul.f32 v9, v11;
	v4 =	vmul.f32 v4, v6  }
0x6d: {  	v61 =	vmul.f32 v10, v13;
	v7 =	vmul.f32 v7, v8  }
0x6e: {  	v11 =	vmul.f32 v11, v9;
	v4 =	vsub.f32 $1.500000000e+00, v4  }
0x6f: {  	v12 =	vmul.f32 v61, v10;
	v7 =	vsub.f32 $1.500000000e+00, v7  }
0x70: {  	v62 =	vsub.f32 $1.500000000e+00, v11;
	v4 =	vmul.f32 v4, v6  }
0x71: {  	vm0 =	vgt.f32 v1, $0.0e+00;
	v63 =	vsub.f32 $1.500000000e+00, v12;
	v1 =	vmul.f32 v7, v8  }
0x72: {  	vm13 =	vgt.f32 v2, $0.0e+00;
	v2 =	vmul.f32 v62, v9;
	v4 =	vnsel vm0, $0x0, v4  }
0x73: {  	vm14 =	vgt.f32 v3, $0.0e+00;
	v3 =	vmul.f32 v63, v10;
	v1 =	vnsel vm13, $0x0, v1;
	[tilespmem:$0x6C00] =	vst v4  }
0x74: {  	vm15 =	vgt.f32 v5, $0.0e+00;
	[tilespmem:$0x6C10] =	vst v1;
	v1 =	vnsel vm14, $0x0, v2  }
0x75: {  	[tilespmem:$0x6C20] =	vst v1;
	v1 =	vnsel vm15, $0x0, v3  }
0x76: {  	s23 =	simm.s32 $0x0;
	s22 =	simm.s32 $0x40;
	[tilespmem:$0x6C30] =	vst v1  }
.LBB2_9:
0x77: {  	p0 =	sne.s32 s22, $0x40C0;
	v1 =	vld [tilespmem:s23+$0x0];
	_ =	sdelay $0x1  }
0x78: {  	v2 =	vld [tilespmem:s23+$0x1080];
	_ =	sdelay $0x5  }
0x79: {  	v3 =	vld.idx.msk [tilespmem:v1+s19+$0x0], $0xffff  }
0x7a: {  	v4 =	vld [tilespmem:s23+$0x2100]  }
0x7b: {  	v5 =	vld.idx.msk [tilespmem:v2+s19+$0x0], $0xffff;
	_ =	sdelay $0x1  }
0x7c: {  	v2 =	vshll.u32 v2, $0x6  }
0x7d: {  	v1 =	vadd.s32 v1, v2  }
.Ltmp4:
0x7e: {  	v2 =	vmul.f32 v4, v3;
	(pc) =	sbr.rel @p0 .LBB2_9-.Ltmp4, $3  }
0x7f: {  	_ = 	snop  }
0x80: {  	v2 =	vmul.f32 v2, v5;
	_ =	sdelay $0x1  }
0x81: {  	s23 =	sshra.s32 s22, $0x2;
	s22 =	sadd.s32 $0x40, s22;
	[tilespmem:v1+s20+$0x0] =	vst.idx.add.f32.msk $0xffff, v2  }
0x82: {  	v1 =	vld [tilespmem:s23+$0x0];
	_ =	sdelay $0x1  }
0x83: {  	v2 =	vld [tilespmem:s23+$0x1080];
	_ =	sdelay $0x4  }
0x84: {  	v4 =	vld [tilespmem:s23+$0x2100]  }
0x85: {  	v3 =	vld.idx.msk [tilespmem:v1+s19+$0x0], $0xffff;
	_ =	sdelay $0x1  }
0x86: {  	v5 =	vld.idx.msk [tilespmem:v2+s19+$0x0], $0xffff  }
0x87: {  	v2 =	vshll.u32 v2, $0x6  }
0x88: {  	v1 =	vadd.s32 v1, v2  }
0x89: {  	v2 =	vmul.f32 v4, v3;
	_ =	sdelay $0x1  }
0x8a: {  	v2 =	vmul.f32 v2, v5;
	_ =	sdelay $0x1  }
0x8b: {  	s22 =	simm.s32 $0x0;
	[tilespmem:v1+s20+$0x0] =	vst.idx.add.f32.msk $0xffff, v2  }
0x8c: {  	[hbm4b:s8+s22] =	stream.linear.scatter [tilespmem:s20], [sflag:$0x1], $0x1000, $0x38;
	[tilespmem:$0x7C80] =	vst v63  }
0x8d: {  	_ =	swait.ge [sflag:s12], $0x1000  }
0x8e: {  	[sflag:s12] =	ssyncset.done $0x0  }
0x8f: {  	[sflag:s12] =	ssyncadd.s32 $0xFFFFF000  }
0x90: {  	[tilespmem:$0x6B80] =	vst v0  }
0x91: {  	[tilespmem:$0x6B90] =	vst v0  }
0x92: {  	[tilespmem:$0x6BA0] =	vst v0  }
0x93: {  	s23 =	simm.s32 $0x0;
	s22 =	simm.s32 $0x40;
	[tilespmem:$0x6BB0] =	vst v0  }
.LBB2_11:
0x94: {  	p0 =	sne.s32 s22, $0x3FC0;
	[tilespmem:s23+$0x6C80] =	vst v0;
	s23 =	smov.u32 s22;
	s22 =	sadd.s32 $0x40, s22  }
.Ltmp5:
0x95: {  	(pc) =	sbr.rel @p0 .LBB2_11-.Ltmp5, $2  }
0x96: {  	_ =	sdelay $0x2  }
0x97: {  	s23 =	sshra.s32 s23, $0x2  }
0x98: {  	[tilespmem:s23+$0x6C80] =	vst v0;
	s23 =	simm.s32 $0x0;
	s22 =	simm.s32 $0x40  }
.LBB2_13:
0x99: {  	p0 =	sne.s32 s22, $0x40C0;
	v1 =	vld [tilespmem:s23+$0x1080];
	_ =	sdelay $0x1  }
0x9a: {  	v2 =	vld [tilespmem:s23+$0x3180];
	_ =	sdelay $0x1  }
.Ltmp6:
0x9b: {  	(pc) =	sbr.rel @p0 .LBB2_13-.Ltmp6, $3  }
0x9c: {  	_ =	sdelay $0x1  }
0x9d: {  	v2 =	vand.u32 $0x7FFFFFFF, v2  }
0x9e: {  	s23 =	sshra.s32 s22, $0x2;
	s22 =	sadd.s32 $0x40, s22;
	[tilespmem:v1+s18+$0x0] =	vst.idx.add.f32.msk $0xffff, v2  }
0x9f: {  	v1 =	vld [tilespmem:s23+$0x1080];
	_ =	sdelay $0x1  }
0xa0: {  	v2 =	vld [tilespmem:s23+$0x3180];
	_ =	sdelay $0x4  }
0xa1: {  	v2 =	vand.u32 $0x7FFFFFFF, v2  }
0xa2: {  	[tilespmem:v1+s18+$0x0] =	vst.idx.add.f32.msk $0xffff, v2  }
0xa3: {  	v1 =	vld [tilespmem:$0x6B80]  }
0xa4: {  	v2 =	vld [tilespmem:$0x6B90]  }
0xa5: {  	v3 =	vld [tilespmem:$0x6BA0]  }
0xa6: {  	v5 =	vld [tilespmem:$0x6BB0];
	_ =	sdelay $0x3  }
0xa7: {  	v4 =	vmax.f32 v1, $9.999999960e-13;
	v7 =	vmax.f32 v2, $9.999999960e-13  }
0xa8: {  	v11 =	vmax.f32 v3, $9.999999960e-13;
	v13 =	vmax.f32 v5, $9.999999960e-13;
	v6 =	vshra.s32 v4, $0x1  }
0xa9: {  	v4 =	vmul.f32 $5.000000000e-01, v4;
	v8 =	vshra.s32 v7, $0x1;
	v7 =	vmul.f32 $5.000000000e-01, v7  }
0xaa: {  	v12 =	vshra.s32 v11, $0x1;
	v11 =	vmul.f32 $5.000000000e-01, v11;
	v6 =	vsub.s32 $0x5F3759DF, v6  }
0xab: {  	v14 =	vshra.s32 v13, $0x1;
	v8 =	vsub.s32 $0x5F3759DF, v8;
	v9 =	vmul.f32 v6, v4  }
0xac: {  	v13 =	vmul.f32 $5.000000000e-01, v13;
	v12 =	vsub.s32 $0x5F3759DF, v12;
	v10 =	vmul.f32 v8, v7  }
0xad: {  	v14 =	vsub.s32 $0x5F3759DF, v14;
	v15 =	vmul.f32 v12, v11;
	v9 =	vmul.f32 v6, v9  }
0xae: {  	v16 =	vmul.f32 v14, v13;
	v10 =	vmul.f32 v8, v10  }
0xaf: {  	v15 =	vmul.f32 v12, v15;
	v9 =	vsub.f32 $1.500000000e+00, v9  }
0xb0: {  	v16 =	vmul.f32 v14, v16;
	v10 =	vsub.f32 $1.500000000e+00, v10  }
0xb1: {  	v45 =	vsub.f32 $1.500000000e+00, v15;
	v6 =	vmul.f32 v6, v9  }
0xb2: {  	v46 =	vsub.f32 $1.500000000e+00, v16;
	v8 =	vmul.f32 v8, v10  }
0xb3: {  	v9 =	vmul.f32 v12, v45;
	v47 =	vmul.f32 v6, v4  }
0xb4: {  	v10 =	vmul.f32 v14, v46;
	v48 =	vmul.f32 v8, v7  }
0xb5: {  	v50 =	vmul.f32 v9, v11;
	v49 =	vmul.f32 v47, v6  }
0xb6: {  	v51 =	vmul.f32 v10, v13;
	v12 =	vmul.f32 v48, v8  }
0xb7: {  	v15 =	vmul.f32 v50, v9;
	v14 =	vsub.f32 $1.500000000e+00, v49  }
0xb8: {  	v16 =	vmul.f32 v51, v10;
	v12 =	vsub.f32 $1.500000000e+00, v12  }
0xb9: {  	v52 =	vsub.f32 $1.500000000e+00, v15;
	v6 =	vmul.f32 v14, v6  }
0xba: {  	v53 =	vsub.f32 $1.500000000e+00, v16;
	v8 =	vmul.f32 v12, v8  }
0xbb: {  	v9 =	vmul.f32 v52, v9;
	v54 =	vmul.f32 v6, v4  }
0xbc: {  	v10 =	vmul.f32 v53, v10;
	v55 =	vmul.f32 v8, v7  }
0xbd: {  	v57 =	vmul.f32 v9, v11;
	v56 =	vmul.f32 v54, v6  }
0xbe: {  	v58 =	vmul.f32 v10, v13;
	v14 =	vmul.f32 v55, v8  }
0xbf: {  	v15 =	vmul.f32 v57, v9;
	v12 =	vsub.f32 $1.500000000e+00, v56  }
0xc0: {  	v16 =	vmul.f32 v58, v10;
	v14 =	vsub.f32 $1.500000000e+00, v14  }
0xc1: {  	v59 =	vsub.f32 $1.500000000e+00, v15;
	v6 =	vmul.f32 v12, v6  }
0xc2: {  	v60 =	vsub.f32 $1.500000000e+00, v16;
	v8 =	vmul.f32 v14, v8  }
0xc3: {  	v9 =	vmul.f32 v59, v9;
	v4 =	vmul.f32 v6, v4  }
0xc4: {  	v10 =	vmul.f32 v60, v10;
	v7 =	vmul.f32 v8, v7  }
0xc5: {  	v11 =	vmul.f32 v9, v11;
	v4 =	vmul.f32 v4, v6  }
0xc6: {  	v61 =	vmul.f32 v10, v13;
	v7 =	vmul.f32 v7, v8  }
0xc7: {  	v11 =	vmul.f32 v11, v9;
	v4 =	vsub.f32 $1.500000000e+00, v4  }
0xc8: {  	v12 =	vmul.f32 v61, v10;
	v7 =	vsub.f32 $1.500000000e+00, v7  }
0xc9: {  	v62 =	vsub.f32 $1.500000000e+00, v11;
	v4 =	vmul.f32 v4, v6  }
0xca: {  	vm0 =	vgt.f32 v1, $0.0e+00;
	v63 =	vsub.f32 $1.500000000e+00, v12;
	v1 =	vmul.f32 v7, v8  }
0xcb: {  	vm13 =	vgt.f32 v2, $0.0e+00;
	v2 =	vmul.f32 v62, v9;
	v4 =	vnsel vm0, $0x0, v4  }
0xcc: {  	vm14 =	vgt.f32 v3, $0.0e+00;
	v3 =	vmul.f32 v63, v10;
	v1 =	vnsel vm13, $0x0, v1;
	[tilespmem:$0x6C00] =	vst v4  }
0xcd: {  	vm15 =	vgt.f32 v5, $0.0e+00;
	[tilespmem:$0x6C10] =	vst v1;
	v1 =	vnsel vm14, $0x0, v2  }
0xce: {  	[tilespmem:$0x6C20] =	vst v1;
	v1 =	vnsel vm15, $0x0, v3  }
0xcf: {  	s23 =	simm.s32 $0x0;
	s22 =	simm.s32 $0x40;
	[tilespmem:$0x6C30] =	vst v1  }
.LBB2_15:
0xd0: {  	p0 =	sne.s32 s22, $0x40C0;
	v1 =	vld [tilespmem:s23+$0x0];
	_ =	sdelay $0x1  }
0xd1: {  	v2 =	vld [tilespmem:s23+$0x1080];
	_ =	sdelay $0x5  }
0xd2: {  	v3 =	vld.idx.msk [tilespmem:v1+s19+$0x0], $0xffff  }
0xd3: {  	v4 =	vld [tilespmem:s23+$0x3180]  }
0xd4: {  	v5 =	vld.idx.msk [tilespmem:v2+s19+$0x0], $0xffff;
	_ =	sdelay $0x1  }
0xd5: {  	v2 =	vshll.u32 v2, $0x6  }
0xd6: {  	v1 =	vadd.s32 v1, v2  }
.Ltmp7:
0xd7: {  	v2 =	vmul.f32 v4, v3;
	(pc) =	sbr.rel @p0 .LBB2_15-.Ltmp7, $3  }
0xd8: {  	_ = 	snop  }
0xd9: {  	v2 =	vmul.f32 v2, v5;
	_ =	sdelay $0x1  }
0xda: {  	s23 =	sshra.s32 s22, $0x2;
	s22 =	sadd.s32 $0x40, s22;
	[tilespmem:v1+s20+$0x0] =	vst.idx.add.f32.msk $0xffff, v2  }
0xdb: {  	v1 =	vld [tilespmem:s23+$0x0];
	_ =	sdelay $0x1  }
0xdc: {  	v2 =	vld [tilespmem:s23+$0x1080];
	_ =	sdelay $0x4  }
0xdd: {  	v4 =	vld [tilespmem:s23+$0x3180]  }
0xde: {  	v3 =	vld.idx.msk [tilespmem:v1+s19+$0x0], $0xffff;
	_ =	sdelay $0x1  }
0xdf: {  	v5 =	vld.idx.msk [tilespmem:v2+s19+$0x0], $0xffff  }
0xe0: {  	v2 =	vshll.u32 v2, $0x6  }
0xe1: {  	v1 =	vadd.s32 v1, v2  }
0xe2: {  	v2 =	vmul.f32 v4, v3;
	_ =	sdelay $0x1  }
0xe3: {  	s21 =	sadd.s32 $0x1, s21;
	v2 =	vmul.f32 v2, v5  }
0xe4: {  	p0 =	sne.s32 s21, s10  }
.Ltmp8:
0xe5: {  	[tilespmem:v1+s20+$0x0] =	vst.idx.add.f32.msk $0xffff, v2;
	(pc) =	sbr.rel @p0 .LBB2_2-.Ltmp8, $4  }
0xe6: {  	[hbm4b:s9+s11] =	stream.linear.scatter [tilespmem:s20], [sflag:$0x1], $0x1000, $0x38;
	[tilespmem:$0x7C80] =	vst v63  }
0xe7: {  	_ =	swait.ge [sflag:s12], $0x1000  }
0xe8: {  	[sflag:s12] =	ssyncset.done $0x0  }
0xe9: {  	[sflag:s12] =	ssyncadd.s32 $0xFFFFF000  }
.LBB2_17:
0xea: {  	_ =	sfence.sel $0x180000  }
0xeb: {  	[bflag:$0x0] =	sbarrier.arrive $0xFFFF  }
0xec: {  	p0 =	sne.s32 s0, $0x0;
	_ =	strace $0x90000047  }
0xed: {  	s0 =	sadd.s32 @!p0 $0x100000, s1;
	[bflag:$0x2] =	sbarrier.arrive $0xFFFF  }
0xee: {  	[sflag:s0] =	ssyncadd.tile.s32 @!p0 $0x1;
	_ =	shalt  }
.Lfunc_end2:
_tile_overlayer_lowered:
.L_overlay_start_2:
0xef: {  	(tag) =	ssettag $0x2  }
0xf0: {  	s0 =	rddreg [dreg:$0x0];
	s2 =	stileid.u32  }
0xf1: {  	s1 =	rddreg [dreg:$0x1];
	p0 =	sne.s32 s2, $0x0  }
0xf2: {  	s3 =	rddreg [dreg:$0x2];
	[bflag:$0x3] =	sbarrier.arrive $0xFFFF;
	s2 =	simm.s32 @!p0 $0x1C01  }
0xf3: {  	[timem:s3], [sflag:s2] =	dma.local @!p0 [hbm:s0], s1  }
0xf4: {  	s0 =	simm.s32 @!p0 $0x1  }
0xf5: {  	_ =	swait.ge @!p0 [sflag:s0], s1  }
0xf6: {  	s1 =	ssub.s32 @!p0 $0x0, s1;
	[sflag:s0] =	ssyncset.done @!p0 $0x0  }
0xf7: {  	[sflag:s0] =	ssyncadd.s32 @!p0 s1  }
0xf8: {  	[bflag:$0x3] =	sbarrier.arrive $0xFFFF  }
0xf9: {  	_ =	shalt  }

</sc_bundles>
